<compile_context>
chip_gen: v7x
topology: tpu7x:2x2x1
jax: 0.10.2.dev20260603
libtpu: 0.0.44.dev20260713+nightly
codegen_flags: <defaults>
</compile_context>

<pallas_src>
import functools

import jax
import jax.numpy as jnp
from jax import lax
from jax.experimental import pallas as pl
from jax.experimental.pallas import tpu as pltpu
from jax.experimental.pallas import tpu_sc as plsc

N_NODES = 10000
N_EDGES = 320000
FEAT = 128
NC = 2
NS = 16
NW = NC * NS

N_PAD = 10240
E_PAD = 327680
EPW = E_PAD // NW
KA = 128
NCHA = EPW // KA
KD = 80
NCHD = EPW // KD
RPT = N_PAD // NS
DEGW = 16


def _sc_mesh():
    return plsc.VectorSubcoreMesh(
        core_axis_name="c", subcore_axis_name="s", num_cores=NC, num_subcores=NS
    )


def _deg_body(dst_hbm, zero_hbm, ones_hbm, out_hbm, acc, idx_d, ones):
    c = lax.axis_index("c")
    s = lax.axis_index("s")
    wid = c * NS + s

    pltpu.sync_copy(ones_hbm, ones)
    pltpu.sync_copy(zero_hbm, acc.at[pl.ds(s * RPT, RPT)])
    plsc.subcore_barrier()

    base = wid * EPW

    def body(i, carry):
        off = base + i * KD
        pltpu.sync_copy(dst_hbm.at[pl.ds(off, KD)], idx_d.at[0])
        pltpu.sync_copy(ones, acc.at[idx_d.at[0]], add=True)
        return carry

    lax.fori_loop(0, NCHD, body, 0)
    plsc.subcore_barrier()
    pltpu.sync_copy(acc.at[pl.ds(s * RPT, RPT)], out_hbm.at[c, s])


def _agg_body(
    g_hbm, src_hbm, dst_hbm, zero_hbm, out_hbm,
    acc, sidx0, sidx1, didx0, didx1, rows0, rows1,
    sem_s0, sem_s1, sem_d0, sem_d1, sem_a, sem_b,
):
    c = lax.axis_index("c")
    s = lax.axis_index("s")
    wid = c * NS + s
    base = wid * EPW

    def load_idx(i, b, which):
        off = base + i * KA
        if which == 0:
            buf, sem = (sidx0, sem_s0) if b == 0 else (sidx1, sem_s1)
            return pltpu.async_copy(src_hbm.at[pl.ds(off, KA)], buf.at[0], sem)
        else:
            buf, sem = (didx0, sem_d0) if b == 0 else (didx1, sem_d1)
            return pltpu.async_copy(dst_hbm.at[pl.ds(off, KA)], buf.at[0], sem)

    def scatter(b):
        if b == 0:
            pltpu.sync_copy(rows0, acc.at[didx0.at[0]], add=True)
        else:
            pltpu.sync_copy(rows1, acc.at[didx1.at[0]], add=True)

    pltpu.sync_copy(zero_hbm, acc.at[pl.ds(s * RPT, RPT)])
    plsc.subcore_barrier()

    def pair(j, carry):
        i0 = 2 * j
        d_s0 = load_idx(i0, 0, 0)
        d_d0 = load_idx(i0, 0, 1)
        d_s1 = load_idx(i0 + 1, 1, 0)
        d_d1 = load_idx(i0 + 1, 1, 1)
        d_s0.wait()
        g0 = pltpu.async_copy(g_hbm.at[sidx0.at[0]], rows0, sem_a)
        g0.wait()
        d_d0.wait()
        scatter(0)
        d_s1.wait()
        g1 = pltpu.async_copy(g_hbm.at[sidx1.at[0]], rows1, sem_b)
        g1.wait()
        d_d1.wait()
        scatter(1)
        return carry

    lax.fori_loop(0, NCHA // 2, pair, 0)

    plsc.subcore_barrier()
    pltpu.sync_copy(acc.at[pl.ds(s * RPT, RPT)], out_hbm.at[c, s])


def _make_deg_kernel(interpret=False):
    return functools.partial(
        pl.kernel,
        out_type=jax.ShapeDtypeStruct((NC, NS, RPT, DEGW), jnp.float32),
        mesh=_sc_mesh(),
        scratch_types=[
            pltpu.VMEM_SHARED((N_PAD, DEGW), jnp.float32),
            pltpu.VMEM((1, KD), jnp.int32),
            pltpu.VMEM((KD, DEGW), jnp.float32),
        ],
        interpret=interpret,
    )(_deg_body)


def _make_agg_kernel(interpret=False):
    return functools.partial(
        pl.kernel,
        out_type=jax.ShapeDtypeStruct((NC, NS, RPT, FEAT), jnp.float32),
        mesh=_sc_mesh(),
        scratch_types=[
            pltpu.VMEM_SHARED((N_PAD, FEAT), jnp.float32),
            pltpu.VMEM((1, KA), jnp.int32),
            pltpu.VMEM((1, KA), jnp.int32),
            pltpu.VMEM((1, KA), jnp.int32),
            pltpu.VMEM((1, KA), jnp.int32),
            pltpu.VMEM((KA, FEAT), jnp.float32),
            pltpu.VMEM((KA, FEAT), jnp.float32),
        ] + [pltpu.SemaphoreType.DMA] * 6,
        interpret=interpret,
    )(_agg_body)


_deg_kernel = _make_deg_kernel()
_agg_kernel = _make_agg_kernel()


BM = 400


def _dinv_from(degp):
    deg = degp[0, :, 0] + degp[1, :, 0] + 1.0
    return lax.rsqrt(deg)


def _tc_a_body(x_ref, w_ref, degp_ref, o_ref):
    dinv = _dinv_from(degp_ref[...])
    h = jnp.dot(x_ref[...], w_ref[...], preferred_element_type=jnp.float32)
    o_ref[...] = h * dinv[:, None]


def _tc_b_body(p_ref, g_ref, degp_ref, b_ref, w_ref, o_ref):
    dinv = _dinv_from(degp_ref[...])
    p = p_ref[...]
    t = (p[0] + p[1] + g_ref[...]) * dinv[:, None] + b_ref[...]
    t = jnp.maximum(t, 0.0)
    o_ref[...] = jnp.dot(t, w_ref[...], preferred_element_type=jnp.float32) * dinv[:, None]


def _tc_c_body(p_ref, g_ref, degp_ref, b_ref, w_ref, bfc_ref, o_ref):
    dinv = _dinv_from(degp_ref[...])
    p = p_ref[...]
    t = (p[0] + p[1] + g_ref[...]) * dinv[:, None] + b_ref[...]
    t = jnp.maximum(t, 0.0)
    o_ref[...] = jnp.dot(t, w_ref[...], preferred_element_type=jnp.float32) + bfc_ref[...]


_BS_ROW = pl.BlockSpec((BM, FEAT), lambda i: (i, 0))
_BS_W = pl.BlockSpec((FEAT, FEAT), lambda i: (0, 0))
_BS_DEGP = pl.BlockSpec((NC, BM, DEGW), lambda i: (0, i, 0))
_BS_PART = pl.BlockSpec((NC, BM, FEAT), lambda i: (0, i, 0))
_BS_BIAS = pl.BlockSpec((1, FEAT), lambda i: (0, 0))
_OUT_SHAPE = jax.ShapeDtypeStruct((N_NODES, FEAT), jnp.float32)
_OUT_PAD = jax.ShapeDtypeStruct((N_PAD, FEAT), jnp.float32)


def _tc_a(x, w1, degp):
    return pl.pallas_call(
        _tc_a_body,
        grid=(N_NODES // BM,),
        in_specs=[_BS_ROW, _BS_W, _BS_DEGP],
        out_specs=_BS_ROW,
        out_shape=_OUT_PAD,
    )(x, w1, degp)


def _tc_b(p, g, degp, b, w):
    return pl.pallas_call(
        _tc_b_body,
        grid=(N_NODES // BM,),
        in_specs=[_BS_PART, _BS_ROW, _BS_DEGP, _BS_BIAS, _BS_W],
        out_specs=_BS_ROW,
        out_shape=_OUT_PAD,
    )(p, g, degp, b, w)


def _tc_c(p, g, degp, b, w, bfc):
    return pl.pallas_call(
        _tc_c_body,
        grid=(N_NODES // BM,),
        in_specs=[_BS_PART, _BS_ROW, _BS_DEGP, _BS_BIAS, _BS_W, _BS_BIAS],
        out_specs=_BS_ROW,
        out_shape=_OUT_SHAPE,
    )(p, g, degp, b, w, bfc)


def kernel(x, edge_index, W1, b1, W2, b2, Wfc, bfc):
    pad = jnp.full((E_PAD - N_EDGES,), N_NODES, jnp.int32)
    src = jnp.concatenate([edge_index[0], pad])
    dst = jnp.concatenate([edge_index[1], pad])
    zero_f = jnp.zeros((RPT, FEAT), jnp.float32)
    zero_d = jnp.zeros((RPT, DEGW), jnp.float32)

    degp = _deg_kernel(
        dst, zero_d, jnp.ones((KD, DEGW), jnp.float32)
    ).reshape(NC, N_PAD, DEGW)

    def _agg(g):
        return _agg_kernel(g, src, dst, zero_f).reshape(NC, N_PAD, FEAT)
    g1 = _tc_a(x, W1, degp)
    p1 = _agg(g1)
    g2 = _tc_b(p1, g1, degp, b1.reshape(1, FEAT), W2)
    p2 = _agg(g2)
    out = _tc_c(p2, g2, degp, b2.reshape(1, FEAT), Wfc, bfc.reshape(1, FEAT))
    return out

# --- scband reference (transcript-rebuilt; emitter-appended) ---
"""Pipeline reference for scband-gcn-47674136985850 (READ-ONLY COPY).

The authoritative reference and input builder live on the scoring server;
editing this copy changes nothing except your own understanding.
"""

import jax, jax.numpy as jnp
import numpy as np

N = 10000
E = 320000
D = 128
HID = 128
OUT = 128


def gcn_conv(x, src, dst, W, b):
    # PyG GCNConv: out = D^{-1/2} (A + I) D^{-1/2} X W + b
    n = x.shape[0]
    h = x @ W
    loop = jnp.arange(n, dtype=src.dtype)
    s = jnp.concatenate([src, loop])
    d = jnp.concatenate([dst, loop])
    deg = jax.ops.segment_sum(jnp.ones(d.shape[0], jnp.float32), d, num_segments=n)
    dinv = jnp.where(deg > 0, deg ** -0.5, 0.0)
    norm = dinv[s] * dinv[d]
    msg = h[s] * norm[:, None]
    out = jax.ops.segment_sum(msg, d, num_segments=n)
    return out + b


def setup_inputs(seed: int = 0) -> dict:
    key = jax.random.key(seed)
    ks = jax.random.split(key, 9)
    x = jax.random.normal(ks[0], (N, D), dtype=jnp.float32)
    edge_index = jax.random.randint(ks[1], (2, E), 0, N, dtype=jnp.int32)
    W1 = jax.random.normal(ks[2], (D, HID), dtype=jnp.float32) * (1.0 / np.sqrt(D))
    b1 = jnp.zeros((HID,), dtype=jnp.float32)
    W2 = jax.random.normal(ks[3], (HID, HID), dtype=jnp.float32) * (1.0 / np.sqrt(HID))
    b2 = jnp.zeros((HID,), dtype=jnp.float32)
    Wfc = jax.random.normal(ks[4], (HID, OUT), dtype=jnp.float32) * (1.0 / np.sqrt(HID))
    bfc = jnp.zeros((OUT,), dtype=jnp.float32)
    return {"x": x, "edge_index": edge_index, "W1": W1, "b1": b1, "W2": W2, "b2": b2, "Wfc": Wfc, "bfc": bfc}


def reference(x, edge_index, W1, b1, W2, b2, Wfc, bfc):
    # Eval-mode forward: dropout is identity, x_dis branch (training-only) skipped.
    src = edge_index[0]
    dst = edge_index[1]
    h = jax.nn.relu(gcn_conv(x, src, dst, W1, b1))
    h = gcn_conv(h, src, dst, W2, b2)
    h = jax.nn.relu(h)
    return h @ Wfc + bfc

if __name__ == "__main__":
    import jax
    _d = setup_inputs()
    print(jax.jit(kernel)(*tuple(_d.values())))

</pallas_src>

<mosaic_0001>
#map = affine_map<(d0, d1) -> (0, 0)>
#map1 = affine_map<(d0, d1) -> (0)>
#map2 = affine_map<(d0, d1) -> (0, 0, 0, 0)>
module attributes {stable_mosaic.version = 14 : i64} {
  func.func @_agg_body(%arg0: i32, %arg1: i32, %arg2: memref<10240x128xf32, #tpu.memory_space<hbm>>, %arg3: memref<327680xi32, #tpu.memory_space<hbm>>, %arg4: memref<327680xi32, #tpu.memory_space<hbm>>, %arg5: memref<640x128xf32, #tpu.memory_space<hbm>>, %arg6: memref<2x16x640x128xf32, #tpu.memory_space<hbm>>, %arg7: memref<10240x128xf32, #tpu.memory_space<vmem_shared>>, %arg8: memref<1x128xi32, #tpu.memory_space<vmem>>, %arg9: memref<1x128xi32, #tpu.memory_space<vmem>>, %arg10: memref<1x128xi32, #tpu.memory_space<vmem>>, %arg11: memref<1x128xi32, #tpu.memory_space<vmem>>, %arg12: memref<128x128xf32, #tpu.memory_space<vmem>>, %arg13: memref<128x128xf32, #tpu.memory_space<vmem>>, %arg14: memref<!tpu.dma_semaphore, #tpu.memory_space<semaphore_mem>>, %arg15: memref<!tpu.dma_semaphore, #tpu.memory_space<semaphore_mem>>, %arg16: memref<!tpu.dma_semaphore, #tpu.memory_space<semaphore_mem>>, %arg17: memref<!tpu.dma_semaphore, #tpu.memory_space<semaphore_mem>>, %arg18: memref<!tpu.dma_semaphore, #tpu.memory_space<semaphore_mem>>, %arg19: memref<!tpu.dma_semaphore, #tpu.memory_space<semaphore_mem>>) attributes {dimension_semantics = [#tpu.dimension_semantics<core_parallel>, #tpu.dimension_semantics<subcore_parallel>], iteration_bounds = array<i64: 2, 16>, scalar_prefetch = 0 : i64, scratch_operands = 13 : i64, tpu.core_type = #tpu.core_type<sc_vector_subcore>, window_params = [{transform_indices = #map}, {transform_indices = #map1}, {transform_indices = #map1}, {transform_indices = #map}, {transform_indices = #map2}]} {
    %mul3A = arith.constant 16 : i32
    %mul3A_0 = arith.muli %arg0, %mul3A : i32
    %add3A = arith.addi %mul3A_0, %arg1 : i32
    %mul3A_1 = arith.constant 10240 : i32
    %mul3A_2 = arith.muli %add3A, %mul3A_1 : i32
    %mul3A_3 = arith.constant 640 : i32
    %mul3A_4 = arith.muli %arg1, %mul3A_3 : i32
    "tpu.region"() ({
      %run_scoped3A = tpu.sem_alloc : memref<!tpu.dma_semaphore, #tpu.memory_space<semaphore_mem>>
      %dma_start3A = arith.constant 0 : i32
      %dma_start3A_13 = tpu.memref_slice %arg7[%mul3A_4, %dma_start3A] : memref<10240x128xf32, #tpu.memory_space<vmem_shared>> -> memref<640x128xf32, #tpu.memory_space<vmem_shared>>
      tpu.enqueue_dma source(%arg5 : memref<640x128xf32, #tpu.memory_space<hbm>>) target(%dma_start3A_13 : memref<640x128xf32, #tpu.memory_space<vmem_shared>>) target_semaphore(%run_scoped3A : memref<!tpu.dma_semaphore, #tpu.memory_space<semaphore_mem>>)
      %dma_wait3A = arith.constant 0 : i32
      %dma_wait3A_14 = tpu.memref_slice %arg7[%mul3A_4, %dma_wait3A] : memref<10240x128xf32, #tpu.memory_space<vmem_shared>> -> memref<640x128xf32, #tpu.memory_space<vmem_shared>>
      tpu.wait_dma2 semaphore(%run_scoped3A : memref<!tpu.dma_semaphore, #tpu.memory_space<semaphore_mem>>) src(%arg5 : memref<640x128xf32, #tpu.memory_space<hbm>>) dst(%dma_wait3A_14 : memref<640x128xf32, #tpu.memory_space<vmem_shared>>)
      tpu.yield
    }) : () -> ()
    %barrier3A = arith.constant 0 : index
    tpu.barrier barrier_id(%barrier3A)
    %scan3A = arith.constant 0 : i32
    %scan3A_5 = arith.constant 0 : i32
    %scan3A_6 = arith.constant 40 : i32
    %scan3A_7 = arith.addi %scan3A_5, %scan3A_6 : i32
    %scan3A_8 = arith.constant 1 : i32
    scf.for %scan3A_13 = %scan3A_5 to %scan3A_7 step %scan3A_8  : i32 {
      %mul3A_14 = arith.constant 2 : i32
      %mul3A_15 = arith.muli %mul3A_14, %scan3A_13 : i32
      %mul3A_16 = arith.constant 128 : i32
      %mul3A_17 = arith.muli %mul3A_15, %mul3A_16 : i32
      %add3A_18 = arith.addi %mul3A_2, %mul3A_17 : i32
      %dma_start3A = arith.constant 0 : i32
      %dma_start3A_19 = arith.constant 0 : i32
      %dma_start3A_20 = tpu.memref_slice %arg8[%dma_start3A, %dma_start3A_19] : memref<1x128xi32, #tpu.memory_space<vmem>> -> memref<1x128xi32, #tpu.memory_space<vmem>>
      %dma_start3A_21 = tpu.memref_squeeze %dma_start3A_20 : memref<1x128xi32, #tpu.memory_space<vmem>> -> memref<128xi32, #tpu.memory_space<vmem>>
      %dma_start3A_22 = tpu.memref_slice %arg3[%add3A_18] : memref<327680xi32, #tpu.memory_space<hbm>> -> memref<128xi32, #tpu.memory_space<hbm>>
      %dma_start3A_23 = arith.constant 0 : i32
      %dma_start3A_24 = tpu.memref_slice %arg8[%dma_start3A, %dma_start3A_23] : memref<1x128xi32, #tpu.memory_space<vmem>> -> memref<1x128xi32, #tpu.memory_space<vmem>>
      %dma_start3A_25 = tpu.memref_squeeze %dma_start3A_24 : memref<1x128xi32, #tpu.memory_space<vmem>> -> memref<128xi32, #tpu.memory_space<vmem>>
      %dma_start3A_26 = tpu.memref_slice %arg3[%add3A_18] : memref<327680xi32, #tpu.memory_space<hbm>> -> memref<128xi32, #tpu.memory_space<hbm>>
      tpu.enqueue_dma source(%dma_start3A_26 : memref<128xi32, #tpu.memory_space<hbm>>) target(%dma_start3A_25 : memref<128xi32, #tpu.memory_space<vmem>>) target_semaphore(%arg14 : memref<!tpu.dma_semaphore, #tpu.memory_space<semaphore_mem>>)
      %mul3A_27 = arith.constant 128 : i32
      %mul3A_28 = arith.muli %mul3A_15, %mul3A_27 : i32
      %add3A_29 = arith.addi %mul3A_2, %mul3A_28 : i32
      %dma_start3A_30 = arith.constant 0 : i32
      %dma_start3A_31 = arith.constant 0 : i32
      %dma_start3A_32 = tpu.memref_slice %arg10[%dma_start3A_30, %dma_start3A_31] : memref<1x128xi32, #tpu.memory_space<vmem>> -> memref<1x128xi32, #tpu.memory_space<vmem>>
      %dma_start3A_33 = tpu.memref_squeeze %dma_start3A_32 : memref<1x128xi32, #tpu.memory_space<vmem>> -> memref<128xi32, #tpu.memory_space<vmem>>
      %dma_start3A_34 = tpu.memref_slice %arg4[%add3A_29] : memref<327680xi32, #tpu.memory_space<hbm>> -> memref<128xi32, #tpu.memory_space<hbm>>
      %dma_start3A_35 = arith.constant 0 : i32
      %dma_start3A_36 = tpu.memref_slice %arg10[%dma_start3A_30, %dma_start3A_35] : memref<1x128xi32, #tpu.memory_space<vmem>> -> memref<1x128xi32, #tpu.memory_space<vmem>>
      %dma_start3A_37 = tpu.memref_squeeze %dma_start3A_36 : memref<1x128xi32, #tpu.memory_space<vmem>> -> memref<128xi32, #tpu.memory_space<vmem>>
      %dma_start3A_38 = tpu.memref_slice %arg4[%add3A_29] : memref<327680xi32, #tpu.memory_space<hbm>> -> memref<128xi32, #tpu.memory_space<hbm>>
      tpu.enqueue_dma source(%dma_start3A_38 : memref<128xi32, #tpu.memory_space<hbm>>) target(%dma_start3A_37 : memref<128xi32, #tpu.memory_space<vmem>>) target_semaphore(%arg16 : memref<!tpu.dma_semaphore, #tpu.memory_space<semaphore_mem>>)
      %add3A_39 = arith.constant 1 : i32
      %add3A_40 = arith.addi %mul3A_15, %add3A_39 : i32
      %mul3A_41 = arith.constant 128 : i32
      %mul3A_42 = arith.muli %add3A_40, %mul3A_41 : i32
      %add3A_43 = arith.addi %mul3A_2, %mul3A_42 : i32
      %dma_start3A_44 = arith.constant 0 : i32
      %dma_start3A_45 = arith.constant 0 : i32
      %dma_start3A_46 = tpu.memref_slice %arg9[%dma_start3A_44, %dma_start3A_45] : memref<1x128xi32, #tpu.memory_space<vmem>> -> memref<1x128xi32, #tpu.memory_space<vmem>>
      %dma_start3A_47 = tpu.memref_squeeze %dma_start3A_46 : memref<1x128xi32, #tpu.memory_space<vmem>> -> memref<128xi32, #tpu.memory_space<vmem>>
      %dma_start3A_48 = tpu.memref_slice %arg3[%add3A_43] : memref<327680xi32, #tpu.memory_space<hbm>> -> memref<128xi32, #tpu.memory_space<hbm>>
      %dma_start3A_49 = arith.constant 0 : i32
      %dma_start3A_50 = tpu.memref_slice %arg9[%dma_start3A_44, %dma_start3A_49] : memref<1x128xi32, #tpu.memory_space<vmem>> -> memref<1x128xi32, #tpu.memory_space<vmem>>
      %dma_start3A_51 = tpu.memref_squeeze %dma_start3A_50 : memref<1x128xi32, #tpu.memory_space<vmem>> -> memref<128xi32, #tpu.memory_space<vmem>>
      %dma_start3A_52 = tpu.memref_slice %arg3[%add3A_43] : memref<327680xi32, #tpu.memory_space<hbm>> -> memref<128xi32, #tpu.memory_space<hbm>>
      tpu.enqueue_dma source(%dma_start3A_52 : memref<128xi32, #tpu.memory_space<hbm>>) target(%dma_start3A_51 : memref<128xi32, #tpu.memory_space<vmem>>) target_semaphore(%arg15 : memref<!tpu.dma_semaphore, #tpu.memory_space<semaphore_mem>>)
      %add3A_53 = arith.constant 1 : i32
      %add3A_54 = arith.addi %mul3A_15, %add3A_53 : i32
      %mul3A_55 = arith.constant 128 : i32
      %mul3A_56 = arith.muli %add3A_54, %mul3A_55 : i32
      %add3A_57 = arith.addi %mul3A_2, %mul3A_56 : i32
      %dma_start3A_58 = arith.constant 0 : i32
      %dma_start3A_59 = arith.constant 0 : i32
      %dma_start3A_60 = tpu.memref_slice %arg11[%dma_start3A_58, %dma_start3A_59] : memref<1x128xi32, #tpu.memory_space<vmem>> -> memref<1x128xi32, #tpu.memory_space<vmem>>
      %dma_start3A_61 = tpu.memref_squeeze %dma_start3A_60 : memref<1x128xi32, #tpu.memory_space<vmem>> -> memref<128xi32, #tpu.memory_space<vmem>>
      %dma_start3A_62 = tpu.memref_slice %arg4[%add3A_57] : memref<327680xi32, #tpu.memory_space<hbm>> -> memref<128xi32, #tpu.memory_space<hbm>>
      %dma_start3A_63 = arith.constant 0 : i32
      %dma_start3A_64 = tpu.memref_slice %arg11[%dma_start3A_58, %dma_start3A_63] : memref<1x128xi32, #tpu.memory_space<vmem>> -> memref<1x128xi32, #tpu.memory_space<vmem>>
      %dma_start3A_65 = tpu.memref_squeeze %dma_start3A_64 : memref<1x128xi32, #tpu.memory_space<vmem>> -> memref<128xi32, #tpu.memory_space<vmem>>
      %dma_start3A_66 = tpu.memref_slice %arg4[%add3A_57] : memref<327680xi32, #tpu.memory_space<hbm>> -> memref<128xi32, #tpu.memory_space<hbm>>
      tpu.enqueue_dma source(%dma_start3A_66 : memref<128xi32, #tpu.memory_space<hbm>>) target(%dma_start3A_65 : memref<128xi32, #tpu.memory_space<vmem>>) target_semaphore(%arg17 : memref<!tpu.dma_semaphore, #tpu.memory_space<semaphore_mem>>)
      %dma_wait3A = arith.constant 0 : i32
      %dma_wait3A_67 = arith.constant 0 : i32
      %dma_wait3A_68 = tpu.memref_slice %arg8[%dma_wait3A, %dma_wait3A_67] : memref<1x128xi32, #tpu.memory_space<vmem>> -> memref<1x128xi32, #tpu.memory_space<vmem>>
      %dma_wait3A_69 = tpu.memref_squeeze %dma_wait3A_68 : memref<1x128xi32, #tpu.memory_space<vmem>> -> memref<128xi32, #tpu.memory_space<vmem>>
      %dma_wait3A_70 = tpu.memref_slice %arg3[%add3A_18] : memref<327680xi32, #tpu.memory_space<hbm>> -> memref<128xi32, #tpu.memory_space<hbm>>
      %dma_wait3A_71 = arith.constant 0 : i32
      %dma_wait3A_72 = tpu.memref_slice %arg8[%dma_wait3A, %dma_wait3A_71] : memref<1x128xi32, #tpu.memory_space<vmem>> -> memref<1x128xi32, #tpu.memory_space<vmem>>
      %dma_wait3A_73 = tpu.memref_squeeze %dma_wait3A_72 : memref<1x128xi32, #tpu.memory_space<vmem>> -> memref<128xi32, #tpu.memory_space<vmem>>
      %dma_wait3A_74 = tpu.memref_slice %arg3[%add3A_18] : memref<327680xi32, #tpu.memory_space<hbm>> -> memref<128xi32, #tpu.memory_space<hbm>>
      tpu.wait_dma2 semaphore(%arg14 : memref<!tpu.dma_semaphore, #tpu.memory_space<semaphore_mem>>) src(%dma_wait3A_74 : memref<128xi32, #tpu.memory_space<hbm>>) dst(%dma_wait3A_73 : memref<128xi32, #tpu.memory_space<vmem>>)
      %dma_start3A_75 = arith.constant 0 : i32
      %dma_start3A_76 = arith.constant 0 : i32
      %dma_start3A_77 = tpu.memref_slice %arg8[%dma_start3A_75, %dma_start3A_76] : memref<1x128xi32, #tpu.memory_space<vmem>> -> memref<1x128xi32, #tpu.memory_space<vmem>>
      %dma_start3A_78 = tpu.memref_squeeze %dma_start3A_77 : memref<1x128xi32, #tpu.memory_space<vmem>> -> memref<128xi32, #tpu.memory_space<vmem>>
      %dma_start3A_79 = arith.constant 0 : i32
      %dma_start3A_80 = arith.constant 0 : i32
      %dma_start3A_81 = tpu.memref_slice %arg2[%dma_start3A_79, %dma_start3A_80] : memref<10240x128xf32, #tpu.memory_space<hbm>> -> memref<10240x128xf32, #tpu.memory_space<hbm>>
      tpu.enqueue_indirect_dma source(%dma_start3A_81 : memref<10240x128xf32, #tpu.memory_space<hbm>>) target(%arg12 : memref<128x128xf32, #tpu.memory_space<vmem>>) offsets(%dma_start3A_78 : memref<128xi32, #tpu.memory_space<vmem>>) semaphore(%arg18 : memref<!tpu.dma_semaphore, #tpu.memory_space<semaphore_mem>>)
      %dma_wait3A_82 = arith.constant 0 : i32
      %dma_wait3A_83 = arith.constant 0 : i32
      %dma_wait3A_84 = tpu.memref_slice %arg8[%dma_wait3A_82, %dma_wait3A_83] : memref<1x128xi32, #tpu.memory_space<vmem>> -> memref<1x128xi32, #tpu.memory_space<vmem>>
      %dma_wait3A_85 = tpu.memref_squeeze %dma_wait3A_84 : memref<1x128xi32, #tpu.memory_space<vmem>> -> memref<128xi32, #tpu.memory_space<vmem>>
      %dma_wait3A_86 = arith.constant 0 : i32
      %dma_wait3A_87 = arith.constant 0 : i32
      %dma_wait3A_88 = tpu.memref_slice %arg2[%dma_wait3A_86, %dma_wait3A_87] : memref<10240x128xf32, #tpu.memory_space<hbm>> -> memref<10240x128xf32, #tpu.memory_space<hbm>>
      tpu.wait_indirect_dma semaphore(%arg18 : memref<!tpu.dma_semaphore, #tpu.memory_space<semaphore_mem>>) src(%dma_wait3A_88 : memref<10240x128xf32, #tpu.memory_space<hbm>>) dst(%arg12 : memref<128x128xf32, #tpu.memory_space<vmem>>)
      %dma_wait3A_89 = arith.constant 0 : i32
      %dma_wait3A_90 = arith.constant 0 : i32
      %dma_wait3A_91 = tpu.memref_slice %arg10[%dma_wait3A_89, %dma_wait3A_90] : memref<1x128xi32, #tpu.memory_space<vmem>> -> memref<1x128xi32, #tpu.memory_space<vmem>>
      %dma_wait3A_92 = tpu.memref_squeeze %dma_wait3A_91 : memref<1x128xi32, #tpu.memory_space<vmem>> -> memref<128xi32, #tpu.memory_space<vmem>>
      %dma_wait3A_93 = tpu.memref_slice %arg4[%add3A_29] : memref<327680xi32, #tpu.memory_space<hbm>> -> memref<128xi32, #tpu.memory_space<hbm>>
      %dma_wait3A_94 = arith.constant 0 : i32
      %dma_wait3A_95 = tpu.memref_slice %arg10[%dma_wait3A_89, %dma_wait3A_94] : memref<1x128xi32, #tpu.memory_space<vmem>> -> memref<1x128xi32, #tpu.memory_space<vmem>>
      %dma_wait3A_96 = tpu.memref_squeeze %dma_wait3A_95 : memref<1x128xi32, #tpu.memory_space<vmem>> -> memref<128xi32, #tpu.memory_space<vmem>>
      %dma_wait3A_97 = tpu.memref_slice %arg4[%add3A_29] : memref<327680xi32, #tpu.memory_space<hbm>> -> memref<128xi32, #tpu.memory_space<hbm>>
      tpu.wait_dma2 semaphore(%arg16 : memref<!tpu.dma_semaphore, #tpu.memory_space<semaphore_mem>>) src(%dma_wait3A_97 : memref<128xi32, #tpu.memory_space<hbm>>) dst(%dma_wait3A_96 : memref<128xi32, #tpu.memory_space<vmem>>)
      %run_scoped3A = arith.constant 0 : i32
      "tpu.region"() ({
        %run_scoped3A_131 = tpu.sem_alloc : memref<!tpu.dma_semaphore, #tpu.memory_space<semaphore_mem>>
        %dma_start3A_132 = arith.constant 0 : i32
        %dma_start3A_133 = tpu.memref_slice %arg10[%run_scoped3A, %dma_start3A_132] : memref<1x128xi32, #tpu.memory_space<vmem>> -> memref<1x128xi32, #tpu.memory_space<vmem>>
        %dma_start3A_134 = tpu.memref_squeeze %dma_start3A_133 : memref<1x128xi32, #tpu.memory_space<vmem>> -> memref<128xi32, #tpu.memory_space<vmem>>
        %dma_start3A_135 = arith.constant 0 : i32
        %dma_start3A_136 = arith.constant 0 : i32
        %dma_start3A_137 = tpu.memref_slice %arg7[%dma_start3A_135, %dma_start3A_136] : memref<10240x128xf32, #tpu.memory_space<vmem_shared>> -> memref<10240x128xf32, #tpu.memory_space<vmem_shared>>
        tpu.enqueue_indirect_dma source(%arg12 : memref<128x128xf32, #tpu.memory_space<vmem>>) target(%dma_start3A_137 : memref<10240x128xf32, #tpu.memory_space<vmem_shared>>) offsets(%dma_start3A_134 : memref<128xi32, #tpu.memory_space<vmem>>) semaphore(%run_scoped3A_131 : memref<!tpu.dma_semaphore, #tpu.memory_space<semaphore_mem>>) {add = true}
        %dma_wait3A_138 = arith.constant 0 : i32
        %dma_wait3A_139 = tpu.memref_slice %arg10[%run_scoped3A, %dma_wait3A_138] : memref<1x128xi32, #tpu.memory_space<vmem>> -> memref<1x128xi32, #tpu.memory_space<vmem>>
        %dma_wait3A_140 = tpu.memref_squeeze %dma_wait3A_139 : memref<1x128xi32, #tpu.memory_space<vmem>> -> memref<128xi32, #tpu.memory_space<vmem>>
        %dma_wait3A_141 = arith.constant 0 : i32
        %dma_wait3A_142 = arith.constant 0 : i32
        %dma_wait3A_143 = tpu.memref_slice %arg7[%dma_wait3A_141, %dma_wait3A_142] : memref<10240x128xf32, #tpu.memory_space<vmem_shared>> -> memref<10240x128xf32, #tpu.memory_space<vmem_shared>>
        tpu.wait_indirect_dma semaphore(%run_scoped3A_131 : memref<!tpu.dma_semaphore, #tpu.memory_space<semaphore_mem>>) src(%arg12 : memref<128x128xf32, #tpu.memory_space<vmem>>) dst(%dma_wait3A_143 : memref<10240x128xf32, #tpu.memory_space<vmem_shared>>)
        tpu.yield
      }) : () -> ()
      %dma_wait3A_98 = arith.constant 0 : i32
      %dma_wait3A_99 = arith.constant 0 : i32
      %dma_wait3A_100 = tpu.memref_slice %arg9[%dma_wait3A_98, %dma_wait3A_99] : memref<1x128xi32, #tpu.memory_space<vmem>> -> memref<1x128xi32, #tpu.memory_space<vmem>>
      %dma_wait3A_101 = tpu.memref_squeeze %dma_wait3A_100 : memref<1x128xi32, #tpu.memory_space<vmem>> -> memref<128xi32, #tpu.memory_space<vmem>>
      %dma_wait3A_102 = tpu.memref_slice %arg3[%add3A_43] : memref<327680xi32, #tpu.memory_space<hbm>> -> memref<128xi32, #tpu.memory_space<hbm>>
      %dma_wait3A_103 = arith.constant 0 : i32
      %dma_wait3A_104 = tpu.memref_slice %arg9[%dma_wait3A_98, %dma_wait3A_103] : memref<1x128xi32, #tpu.memory_space<vmem>> -> memref<1x128xi32, #tpu.memory_space<vmem>>
      %dma_wait3A_105 = tpu.memref_squeeze %dma_wait3A_104 : memref<1x128xi32, #tpu.memory_space<vmem>> -> memref<128xi32, #tpu.memory_space<vmem>>
      %dma_wait3A_106 = tpu.memref_slice %arg3[%add3A_43] : memref<327680xi32, #tpu.memory_space<hbm>> -> memref<128xi32, #tpu.memory_space<hbm>>
      tpu.wait_dma2 semaphore(%arg15 : memref<!tpu.dma_semaphore, #tpu.memory_space<semaphore_mem>>) src(%dma_wait3A_106 : memref<128xi32, #tpu.memory_space<hbm>>) dst(%dma_wait3A_105 : memref<128xi32, #tpu.memory_space<vmem>>)
      %dma_start3A_107 = arith.constant 0 : i32
      %dma_start3A_108 = arith.constant 0 : i32
      %dma_start3A_109 = tpu.memref_slice %arg9[%dma_start3A_107, %dma_start3A_108] : memref<1x128xi32, #tpu.memory_space<vmem>> -> memref<1x128xi32, #tpu.memory_space<vmem>>
      %dma_start3A_110 = tpu.memref_squeeze %dma_start3A_109 : memref<1x128xi32, #tpu.memory_space<vmem>> -> memref<128xi32, #tpu.memory_space<vmem>>
      %dma_start3A_111 = arith.constant 0 : i32
      %dma_start3A_112 = arith.constant 0 : i32
      %dma_start3A_113 = tpu.memref_slice %arg2[%dma_start3A_111, %dma_start3A_112] : memref<10240x128xf32, #tpu.memory_space<hbm>> -> memref<10240x128xf32, #tpu.memory_space<hbm>>
      tpu.enqueue_indirect_dma source(%dma_start3A_113 : memref<10240x128xf32, #tpu.memory_space<hbm>>) target(%arg13 : memref<128x128xf32, #tpu.memory_space<vmem>>) offsets(%dma_start3A_110 : memref<128xi32, #tpu.memory_space<vmem>>) semaphore(%arg19 : memref<!tpu.dma_semaphore, #tpu.memory_space<semaphore_mem>>)
      %dma_wait3A_114 = arith.constant 0 : i32
      %dma_wait3A_115 = arith.constant 0 : i32
      %dma_wait3A_116 = tpu.memref_slice %arg9[%dma_wait3A_114, %dma_wait3A_115] : memref<1x128xi32, #tpu.memory_space<vmem>> -> memref<1x128xi32, #tpu.memory_space<vmem>>
      %dma_wait3A_117 = tpu.memref_squeeze %dma_wait3A_116 : memref<1x128xi32, #tpu.memory_space<vmem>> -> memref<128xi32, #tpu.memory_space<vmem>>
      %dma_wait3A_118 = arith.constant 0 : i32
      %dma_wait3A_119 = arith.constant 0 : i32
      %dma_wait3A_120 = tpu.memref_slice %arg2[%dma_wait3A_118, %dma_wait3A_119] : memref<10240x128xf32, #tpu.memory_space<hbm>> -> memref<10240x128xf32, #tpu.memory_space<hbm>>
      tpu.wait_indirect_dma semaphore(%arg19 : memref<!tpu.dma_semaphore, #tpu.memory_space<semaphore_mem>>) src(%dma_wait3A_120 : memref<10240x128xf32, #tpu.memory_space<hbm>>) dst(%arg13 : memref<128x128xf32, #tpu.memory_space<vmem>>)
      %dma_wait3A_121 = arith.constant 0 : i32
      %dma_wait3A_122 = arith.constant 0 : i32
      %dma_wait3A_123 = tpu.memref_slice %arg11[%dma_wait3A_121, %dma_wait3A_122] : memref<1x128xi32, #tpu.memory_space<vmem>> -> memref<1x128xi32, #tpu.memory_space<vmem>>
      %dma_wait3A_124 = tpu.memref_squeeze %dma_wait3A_123 : memref<1x128xi32, #tpu.memory_space<vmem>> -> memref<128xi32, #tpu.memory_space<vmem>>
      %dma_wait3A_125 = tpu.memref_slice %arg4[%add3A_57] : memref<327680xi32, #tpu.memory_space<hbm>> -> memref<128xi32, #tpu.memory_space<hbm>>
      %dma_wait3A_126 = arith.constant 0 : i32
      %dma_wait3A_127 = tpu.memref_slice %arg11[%dma_wait3A_121, %dma_wait3A_126] : memref<1x128xi32, #tpu.memory_space<vmem>> -> memref<1x128xi32, #tpu.memory_space<vmem>>
      %dma_wait3A_128 = tpu.memref_squeeze %dma_wait3A_127 : memref<1x128xi32, #tpu.memory_space<vmem>> -> memref<128xi32, #tpu.memory_space<vmem>>
      %dma_wait3A_129 = tpu.memref_slice %arg4[%add3A_57] : memref<327680xi32, #tpu.memory_space<hbm>> -> memref<128xi32, #tpu.memory_space<hbm>>
      tpu.wait_dma2 semaphore(%arg17 : memref<!tpu.dma_semaphore, #tpu.memory_space<semaphore_mem>>) src(%dma_wait3A_129 : memref<128xi32, #tpu.memory_space<hbm>>) dst(%dma_wait3A_128 : memref<128xi32, #tpu.memory_space<vmem>>)
      %run_scoped3A_130 = arith.constant 0 : i32
      "tpu.region"() ({
        %run_scoped3A_131 = tpu.sem_alloc : memref<!tpu.dma_semaphore, #tpu.memory_space<semaphore_mem>>
        %dma_start3A_132 = arith.constant 0 : i32
        %dma_start3A_133 = tpu.memref_slice %arg11[%run_scoped3A_130, %dma_start3A_132] : memref<1x128xi32, #tpu.memory_space<vmem>> -> memref<1x128xi32, #tpu.memory_space<vmem>>
        %dma_start3A_134 = tpu.memref_squeeze %dma_start3A_133 : memref<1x128xi32, #tpu.memory_space<vmem>> -> memref<128xi32, #tpu.memory_space<vmem>>
        %dma_start3A_135 = arith.constant 0 : i32
        %dma_start3A_136 = arith.constant 0 : i32
        %dma_start3A_137 = tpu.memref_slice %arg7[%dma_start3A_135, %dma_start3A_136] : memref<10240x128xf32, #tpu.memory_space<vmem_shared>> -> memref<10240x128xf32, #tpu.memory_space<vmem_shared>>
        tpu.enqueue_indirect_dma source(%arg13 : memref<128x128xf32, #tpu.memory_space<vmem>>) target(%dma_start3A_137 : memref<10240x128xf32, #tpu.memory_space<vmem_shared>>) offsets(%dma_start3A_134 : memref<128xi32, #tpu.memory_space<vmem>>) semaphore(%run_scoped3A_131 : memref<!tpu.dma_semaphore, #tpu.memory_space<semaphore_mem>>) {add = true}
        %dma_wait3A_138 = arith.constant 0 : i32
        %dma_wait3A_139 = tpu.memref_slice %arg11[%run_scoped3A_130, %dma_wait3A_138] : memref<1x128xi32, #tpu.memory_space<vmem>> -> memref<1x128xi32, #tpu.memory_space<vmem>>
        %dma_wait3A_140 = tpu.memref_squeeze %dma_wait3A_139 : memref<1x128xi32, #tpu.memory_space<vmem>> -> memref<128xi32, #tpu.memory_space<vmem>>
        %dma_wait3A_141 = arith.constant 0 : i32
        %dma_wait3A_142 = arith.constant 0 : i32
        %dma_wait3A_143 = tpu.memref_slice %arg7[%dma_wait3A_141, %dma_wait3A_142] : memref<10240x128xf32, #tpu.memory_space<vmem_shared>> -> memref<10240x128xf32, #tpu.memory_space<vmem_shared>>
        tpu.wait_indirect_dma semaphore(%run_scoped3A_131 : memref<!tpu.dma_semaphore, #tpu.memory_space<semaphore_mem>>) src(%arg13 : memref<128x128xf32, #tpu.memory_space<vmem>>) dst(%dma_wait3A_143 : memref<10240x128xf32, #tpu.memory_space<vmem_shared>>)
        tpu.yield
      }) : () -> ()
    }
    %scan3A_9 = arith.constant 40 : i32
    %barrier3A_10 = arith.constant 0 : index
    tpu.barrier barrier_id(%barrier3A_10)
    %mul3A_11 = arith.constant 640 : i32
    %mul3A_12 = arith.muli %arg1, %mul3A_11 : i32
    "tpu.region"() ({
      %run_scoped3A = tpu.sem_alloc : memref<!tpu.dma_semaphore, #tpu.memory_space<semaphore_mem>>
      %dma_start3A = arith.constant 0 : i32
      %dma_start3A_13 = arith.constant 0 : i32
      %dma_start3A_14 = tpu.memref_slice %arg6[%arg0, %arg1, %dma_start3A, %dma_start3A_13] : memref<2x16x640x128xf32, #tpu.memory_space<hbm>> -> memref<1x1x640x128xf32, #tpu.memory_space<hbm>>
      %dma_start3A_15 = tpu.memref_squeeze %dma_start3A_14 : memref<1x1x640x128xf32, #tpu.memory_space<hbm>> -> memref<640x128xf32, #tpu.memory_space<hbm>>
      %dma_start3A_16 = arith.constant 0 : i32
      %dma_start3A_17 = tpu.memref_slice %arg7[%mul3A_12, %dma_start3A_16] : memref<10240x128xf32, #tpu.memory_space<vmem_shared>> -> memref<640x128xf32, #tpu.memory_space<vmem_shared>>
      tpu.enqueue_dma source(%dma_start3A_17 : memref<640x128xf32, #tpu.memory_space<vmem_shared>>) target(%dma_start3A_15 : memref<640x128xf32, #tpu.memory_space<hbm>>) target_semaphore(%run_scoped3A : memref<!tpu.dma_semaphore, #tpu.memory_space<semaphore_mem>>)
      %dma_wait3A = arith.constant 0 : i32
      %dma_wait3A_18 = arith.constant 0 : i32
      %dma_wait3A_19 = tpu.memref_slice %arg6[%arg0, %arg1, %dma_wait3A, %dma_wait3A_18] : memref<2x16x640x128xf32, #tpu.memory_space<hbm>> -> memref<1x1x640x128xf32, #tpu.memory_space<hbm>>
      %dma_wait3A_20 = tpu.memref_squeeze %dma_wait3A_19 : memref<1x1x640x128xf32, #tpu.memory_space<hbm>> -> memref<640x128xf32, #tpu.memory_space<hbm>>
      %dma_wait3A_21 = arith.constant 0 : i32
      %dma_wait3A_22 = tpu.memref_slice %arg7[%mul3A_12, %dma_wait3A_21] : memref<10240x128xf32, #tpu.memory_space<vmem_shared>> -> memref<640x128xf32, #tpu.memory_space<vmem_shared>>
      tpu.wait_dma2 semaphore(%run_scoped3A : memref<!tpu.dma_semaphore, #tpu.memory_space<semaphore_mem>>) src(%dma_wait3A_22 : memref<640x128xf32, #tpu.memory_space<vmem_shared>>) dst(%dma_wait3A_20 : memref<640x128xf32, #tpu.memory_space<hbm>>)
      tpu.yield
    }) : () -> ()
    return
  }
}

#map = affine_map<(d0, d1) -> (0, 0)>
#map1 = affine_map<(d0, d1) -> (0)>
#map2 = affine_map<(d0, d1) -> (0, 0, 0, 0)>
module attributes {stable_mosaic.version = 14 : i64} {
  func.func @_agg_body(%arg0: i32, %arg1: i32, %arg2: memref<10240x128xf32, #tpu.memory_space<hbm>>, %arg3: memref<327680xi32, #tpu.memory_space<hbm>>, %arg4: memref<327680xi32, #tpu.memory_space<hbm>>, %arg5: memref<640x128xf32, #tpu.memory_space<hbm>>, %arg6: memref<2x16x640x128xf32, #tpu.memory_space<hbm>>, %arg7: memref<10240x128xf32, #tpu.memory_space<vmem_shared>>, %arg8: memref<1x128xi32, #tpu.memory_space<vmem>>, %arg9: memref<1x128xi32, #tpu.memory_space<vmem>>, %arg10: memref<1x128xi32, #tpu.memory_space<vmem>>, %arg11: memref<1x128xi32, #tpu.memory_space<vmem>>, %arg12: memref<128x128xf32, #tpu.memory_space<vmem>>, %arg13: memref<128x128xf32, #tpu.memory_space<vmem>>, %arg14: memref<!tpu.dma_semaphore, #tpu.memory_space<semaphore_mem>>, %arg15: memref<!tpu.dma_semaphore, #tpu.memory_space<semaphore_mem>>, %arg16: memref<!tpu.dma_semaphore, #tpu.memory_space<semaphore_mem>>, %arg17: memref<!tpu.dma_semaphore, #tpu.memory_space<semaphore_mem>>, %arg18: memref<!tpu.dma_semaphore, #tpu.memory_space<semaphore_mem>>, %arg19: memref<!tpu.dma_semaphore, #tpu.memory_space<semaphore_mem>>) attributes {dimension_semantics = [#tpu.dimension_semantics<core_parallel>, #tpu.dimension_semantics<subcore_parallel>], iteration_bounds = array<i64: 2, 16>, scalar_prefetch = 0 : i64, scratch_operands = 13 : i64, tpu.core_type = #tpu.core_type<sc_vector_subcore>, window_params = [{transform_indices = #map}, {transform_indices = #map1}, {transform_indices = #map1}, {transform_indices = #map}, {transform_indices = #map2}]} {
    %mul3A = arith.constant 16 : i32
    %mul3A_0 = arith.muli %arg0, %mul3A : i32
    %add3A = arith.addi %mul3A_0, %arg1 : i32
    %mul3A_1 = arith.constant 10240 : i32
    %mul3A_2 = arith.muli %add3A, %mul3A_1 : i32
    %mul3A_3 = arith.constant 640 : i32
    %mul3A_4 = arith.muli %arg1, %mul3A_3 : i32
    "tpu.region"() ({
      %run_scoped3A = tpu.sem_alloc : memref<!tpu.dma_semaphore, #tpu.memory_space<semaphore_mem>>
      %dma_start3A = arith.constant 0 : i32
      %dma_start3A_13 = tpu.memref_slice %arg7[%mul3A_4, %dma_start3A] : memref<10240x128xf32, #tpu.memory_space<vmem_shared>> -> memref<640x128xf32, #tpu.memory_space<vmem_shared>>
      tpu.enqueue_dma source(%arg5 : memref<640x128xf32, #tpu.memory_space<hbm>>) target(%dma_start3A_13 : memref<640x128xf32, #tpu.memory_space<vmem_shared>>) target_semaphore(%run_scoped3A : memref<!tpu.dma_semaphore, #tpu.memory_space<semaphore_mem>>)
      %dma_wait3A = arith.constant 0 : i32
      %dma_wait3A_14 = tpu.memref_slice %arg7[%mul3A_4, %dma_wait3A] : memref<10240x128xf32, #tpu.memory_space<vmem_shared>> -> memref<640x128xf32, #tpu.memory_space<vmem_shared>>
      tpu.wait_dma2 semaphore(%run_scoped3A : memref<!tpu.dma_semaphore, #tpu.memory_space<semaphore_mem>>) src(%arg5 : memref<640x128xf32, #tpu.memory_space<hbm>>) dst(%dma_wait3A_14 : memref<640x128xf32, #tpu.memory_space<vmem_shared>>)
      tpu.yield
    }) : () -> ()
    %barrier3A = arith.constant 0 : index
    tpu.barrier barrier_id(%barrier3A)
    %scan3A = arith.constant 0 : i32
    %scan3A_5 = arith.constant 0 : i32
    %scan3A_6 = arith.constant 40 : i32
    %scan3A_7 = arith.addi %scan3A_5, %scan3A_6 : i32
    %scan3A_8 = arith.constant 1 : i32
    scf.for %scan3A_13 = %scan3A_5 to %scan3A_7 step %scan3A_8  : i32 {
      %mul3A_14 = arith.constant 2 : i32
      %mul3A_15 = arith.muli %mul3A_14, %scan3A_13 : i32
      %mul3A_16 = arith.constant 128 : i32
      %mul3A_17 = arith.muli %mul3A_15, %mul3A_16 : i32
      %add3A_18 = arith.addi %mul3A_2, %mul3A_17 : i32
      %dma_start3A = arith.constant 0 : i32
      %dma_start3A_19 = arith.constant 0 : i32
      %dma_start3A_20 = tpu.memref_slice %arg8[%dma_start3A, %dma_start3A_19] : memref<1x128xi32, #tpu.memory_space<vmem>> -> memref<1x128xi32, #tpu.memory_space<vmem>>
      %dma_start3A_21 = tpu.memref_squeeze %dma_start3A_20 : memref<1x128xi32, #tpu.memory_space<vmem>> -> memref<128xi32, #tpu.memory_space<vmem>>
      %dma_start3A_22 = tpu.memref_slice %arg3[%add3A_18] : memref<327680xi32, #tpu.memory_space<hbm>> -> memref<128xi32, #tpu.memory_space<hbm>>
      %dma_start3A_23 = arith.constant 0 : i32
      %dma_start3A_24 = tpu.memref_slice %arg8[%dma_start3A, %dma_start3A_23] : memref<1x128xi32, #tpu.memory_space<vmem>> -> memref<1x128xi32, #tpu.memory_space<vmem>>
      %dma_start3A_25 = tpu.memref_squeeze %dma_start3A_24 : memref<1x128xi32, #tpu.memory_space<vmem>> -> memref<128xi32, #tpu.memory_space<vmem>>
      %dma_start3A_26 = tpu.memref_slice %arg3[%add3A_18] : memref<327680xi32, #tpu.memory_space<hbm>> -> memref<128xi32, #tpu.memory_space<hbm>>
      tpu.enqueue_dma source(%dma_start3A_26 : memref<128xi32, #tpu.memory_space<hbm>>) target(%dma_start3A_25 : memref<128xi32, #tpu.memory_space<vmem>>) target_semaphore(%arg14 : memref<!tpu.dma_semaphore, #tpu.memory_space<semaphore_mem>>)
      %mul3A_27 = arith.constant 128 : i32
      %mul3A_28 = arith.muli %mul3A_15, %mul3A_27 : i32
      %add3A_29 = arith.addi %mul3A_2, %mul3A_28 : i32
      %dma_start3A_30 = arith.constant 0 : i32
      %dma_start3A_31 = arith.constant 0 : i32
      %dma_start3A_32 = tpu.memref_slice %arg10[%dma_start3A_30, %dma_start3A_31] : memref<1x128xi32, #tpu.memory_space<vmem>> -> memref<1x128xi32, #tpu.memory_space<vmem>>
      %dma_start3A_33 = tpu.memref_squeeze %dma_start3A_32 : memref<1x128xi32, #tpu.memory_space<vmem>> -> memref<128xi32, #tpu.memory_space<vmem>>
      %dma_start3A_34 = tpu.memref_slice %arg4[%add3A_29] : memref<327680xi32, #tpu.memory_space<hbm>> -> memref<128xi32, #tpu.memory_space<hbm>>
      %dma_start3A_35 = arith.constant 0 : i32
      %dma_start3A_36 = tpu.memref_slice %arg10[%dma_start3A_30, %dma_start3A_35] : memref<1x128xi32, #tpu.memory_space<vmem>> -> memref<1x128xi32, #tpu.memory_space<vmem>>
      %dma_start3A_37 = tpu.memref_squeeze %dma_start3A_36 : memref<1x128xi32, #tpu.memory_space<vmem>> -> memref<128xi32, #tpu.memory_space<vmem>>
      %dma_start3A_38 = tpu.memref_slice %arg4[%add3A_29] : memref<327680xi32, #tpu.memory_space<hbm>> -> memref<128xi32, #tpu.memory_space<hbm>>
      tpu.enqueue_dma source(%dma_start3A_38 : memref<128xi32, #tpu.memory_space<hbm>>) target(%dma_start3A_37 : memref<128xi32, #tpu.memory_space<vmem>>) target_semaphore(%arg16 : memref<!tpu.dma_semaphore, #tpu.memory_space<semaphore_mem>>)
      %add3A_39 = arith.constant 1 : i32
      %add3A_40 = arith.addi %mul3A_15, %add3A_39 : i32
      %mul3A_41 = arith.constant 128 : i32
      %mul3A_42 = arith.muli %add3A_40, %mul3A_41 : i32
      %add3A_43 = arith.addi %mul3A_2, %mul3A_42 : i32
      %dma_start3A_44 = arith.constant 0 : i32
      %dma_start3A_45 = arith.constant 0 : i32
      %dma_start3A_46 = tpu.memref_slice %arg9[%dma_start3A_44, %dma_start3A_45] : memref<1x128xi32, #tpu.memory_space<vmem>> -> memref<1x128xi32, #tpu.memory_space<vmem>>
      %dma_start3A_47 = tpu.memref_squeeze %dma_start3A_46 : memref<1x128xi32, #tpu.memory_space<vmem>> -> memref<128xi32, #tpu.memory_space<vmem>>
      %dma_start3A_48 = tpu.memref_slice %arg3[%add3A_43] : memref<327680xi32, #tpu.memory_space<hbm>> -> memref<128xi32, #tpu.memory_space<hbm>>
      %dma_start3A_49 = arith.constant 0 : i32
      %dma_start3A_50 = tpu.memref_slice %arg9[%dma_start3A_44, %dma_start3A_49] : memref<1x128xi32, #tpu.memory_space<vmem>> -> memref<1x128xi32, #tpu.memory_space<vmem>>
      %dma_start3A_51 = tpu.memref_squeeze %dma_start3A_50 : memref<1x128xi32, #tpu.memory_space<vmem>> -> memref<128xi32, #tpu.memory_space<vmem>>
      %dma_start3A_52 = tpu.memref_slice %arg3[%add3A_43] : memref<327680xi32, #tpu.memory_space<hbm>> -> memref<128xi32, #tpu.memory_space<hbm>>
      tpu.enqueue_dma source(%dma_start3A_52 : memref<128xi32, #tpu.memory_space<hbm>>) target(%dma_start3A_51 : memref<128xi32, #tpu.memory_space<vmem>>) target_semaphore(%arg15 : memref<!tpu.dma_semaphore, #tpu.memory_space<semaphore_mem>>)
      %add3A_53 = arith.constant 1 : i32
      %add3A_54 = arith.addi %mul3A_15, %add3A_53 : i32
      %mul3A_55 = arith.constant 128 : i32
      %mul3A_56 = arith.muli %add3A_54, %mul3A_55 : i32
      %add3A_57 = arith.addi %mul3A_2, %mul3A_56 : i32
      %dma_start3A_58 = arith.constant 0 : i32
      %dma_start3A_59 = arith.constant 0 : i32
      %dma_start3A_60 = tpu.memref_slice %arg11[%dma_start3A_58, %dma_start3A_59] : memref<1x128xi32, #tpu.memory_space<vmem>> -> memref<1x128xi32, #tpu.memory_space<vmem>>
      %dma_start3A_61 = tpu.memref_squeeze %dma_start3A_60 : memref<1x128xi32, #tpu.memory_space<vmem>> -> memref<128xi32, #tpu.memory_space<vmem>>
      %dma_start3A_62 = tpu.memref_slice %arg4[%add3A_57] : memref<327680xi32, #tpu.memory_space<hbm>> -> memref<128xi32, #tpu.memory_space<hbm>>
      %dma_start3A_63 = arith.constant 0 : i32
      %dma_start3A_64 = tpu.memref_slice %arg11[%dma_start3A_58, %dma_start3A_63] : memref<1x128xi32, #tpu.memory_space<vmem>> -> memref<1x128xi32, #tpu.memory_space<vmem>>
      %dma_start3A_65 = tpu.memref_squeeze %dma_start3A_64 : memref<1x128xi32, #tpu.memory_space<vmem>> -> memref<128xi32, #tpu.memory_space<vmem>>
      %dma_start3A_66 = tpu.memref_slice %arg4[%add3A_57] : memref<327680xi32, #tpu.memory_space<hbm>> -> memref<128xi32, #tpu.memory_space<hbm>>
      tpu.enqueue_dma source(%dma_start3A_66 : memref<128xi32, #tpu.memory_space<hbm>>) target(%dma_start3A_65 : memref<128xi32, #tpu.memory_space<vmem>>) target_semaphore(%arg17 : memref<!tpu.dma_semaphore, #tpu.memory_space<semaphore_mem>>)
      %dma_wait3A = arith.constant 0 : i32
      %dma_wait3A_67 = arith.constant 0 : i32
      %dma_wait3A_68 = tpu.memref_slice %arg8[%dma_wait3A, %dma_wait3A_67] : memref<1x128xi32, #tpu.memory_space<vmem>> -> memref<1x128xi32, #tpu.memory_space<vmem>>
      %dma_wait3A_69 = tpu.memref_squeeze %dma_wait3A_68 : memref<1x128xi32, #tpu.memory_space<vmem>> -> memref<128xi32, #tpu.memory_space<vmem>>
      %dma_wait3A_70 = tpu.memref_slice %arg3[%add3A_18] : memref<327680xi32, #tpu.memory_space<hbm>> -> memref<128xi32, #tpu.memory_space<hbm>>
      %dma_wait3A_71 = arith.constant 0 : i32
      %dma_wait3A_72 = tpu.memref_slice %arg8[%dma_wait3A, %dma_wait3A_71] : memref<1x128xi32, #tpu.memory_space<vmem>> -> memref<1x128xi32, #tpu.memory_space<vmem>>
      %dma_wait3A_73 = tpu.memref_squeeze %dma_wait3A_72 : memref<1x128xi32, #tpu.memory_space<vmem>> -> memref<128xi32, #tpu.memory_space<vmem>>
      %dma_wait3A_74 = tpu.memref_slice %arg3[%add3A_18] : memref<327680xi32, #tpu.memory_space<hbm>> -> memref<128xi32, #tpu.memory_space<hbm>>
      tpu.wait_dma2 semaphore(%arg14 : memref<!tpu.dma_semaphore, #tpu.memory_space<semaphore_mem>>) src(%dma_wait3A_74 : memref<128xi32, #tpu.memory_space<hbm>>) dst(%dma_wait3A_73 : memref<128xi32, #tpu.memory_space<vmem>>)
      %dma_start3A_75 = arith.constant 0 : i32
      %dma_start3A_76 = arith.constant 0 : i32
      %dma_start3A_77 = tpu.memref_slice %arg8[%dma_start3A_75, %dma_start3A_76] : memref<1x128xi32, #tpu.memory_space<vmem>> -> memref<1x128xi32, #tpu.memory_space<vmem>>
      %dma_start3A_78 = tpu.memref_squeeze %dma_start3A_77 : memref<1x128xi32, #tpu.memory_space<vmem>> -> memref<128xi32, #tpu.memory_space<vmem>>
      %dma_start3A_79 = arith.constant 0 : i32
      %dma_start3A_80 = arith.constant 0 : i32
      %dma_start3A_81 = tpu.memref_slice %arg2[%dma_start3A_79, %dma_start3A_80] : memref<10240x128xf32, #tpu.memory_space<hbm>> -> memref<10240x128xf32, #tpu.memory_space<hbm>>
      tpu.enqueue_indirect_dma source(%dma_start3A_81 : memref<10240x128xf32, #tpu.memory_space<hbm>>) target(%arg12 : memref<128x128xf32, #tpu.memory_space<vmem>>) offsets(%dma_start3A_78 : memref<128xi32, #tpu.memory_space<vmem>>) semaphore(%arg18 : memref<!tpu.dma_semaphore, #tpu.memory_space<semaphore_mem>>)
      %dma_wait3A_82 = arith.constant 0 : i32
      %dma_wait3A_83 = arith.constant 0 : i32
      %dma_wait3A_84 = tpu.memref_slice %arg8[%dma_wait3A_82, %dma_wait3A_83] : memref<1x128xi32, #tpu.memory_space<vmem>> -> memref<1x128xi32, #tpu.memory_space<vmem>>
      %dma_wait3A_85 = tpu.memref_squeeze %dma_wait3A_84 : memref<1x128xi32, #tpu.memory_space<vmem>> -> memref<128xi32, #tpu.memory_space<vmem>>
      %dma_wait3A_86 = arith.constant 0 : i32
      %dma_wait3A_87 = arith.constant 0 : i32
      %dma_wait3A_88 = tpu.memref_slice %arg2[%dma_wait3A_86, %dma_wait3A_87] : memref<10240x128xf32, #tpu.memory_space<hbm>> -> memref<10240x128xf32, #tpu.memory_space<hbm>>
      tpu.wait_indirect_dma semaphore(%arg18 : memref<!tpu.dma_semaphore, #tpu.memory_space<semaphore_mem>>) src(%dma_wait3A_88 : memref<10240x128xf32, #tpu.memory_space<hbm>>) dst(%arg12 : memref<128x128xf32, #tpu.memory_space<vmem>>)
      %dma_wait3A_89 = arith.constant 0 : i32
      %dma_wait3A_90 = arith.constant 0 : i32
      %dma_wait3A_91 = tpu.memref_slice %arg10[%dma_wait3A_89, %dma_wait3A_90] : memref<1x128xi32, #tpu.memory_space<vmem>> -> memref<1x128xi32, #tpu.memory_space<vmem>>
      %dma_wait3A_92 = tpu.memref_squeeze %dma_wait3A_91 : memref<1x128xi32, #tpu.memory_space<vmem>> -> memref<128xi32, #tpu.memory_space<vmem>>
      %dma_wait3A_93 = tpu.memref_slice %arg4[%add3A_29] : memref<327680xi32, #tpu.memory_space<hbm>> -> memref<128xi32, #tpu.memory_space<hbm>>
      %dma_wait3A_94 = arith.constant 0 : i32
      %dma_wait3A_95 = tpu.memref_slice %arg10[%dma_wait3A_89, %dma_wait3A_94] : memref<1x128xi32, #tpu.memory_space<vmem>> -> memref<1x128xi32, #tpu.memory_space<vmem>>
      %dma_wait3A_96 = tpu.memref_squeeze %dma_wait3A_95 : memref<1x128xi32, #tpu.memory_space<vmem>> -> memref<128xi32, #tpu.memory_space<vmem>>
      %dma_wait3A_97 = tpu.memref_slice %arg4[%add3A_29] : memref<327680xi32, #tpu.memory_space<hbm>> -> memref<128xi32, #tpu.memory_space<hbm>>
      tpu.wait_dma2 semaphore(%arg16 : memref<!tpu.dma_semaphore, #tpu.memory_space<semaphore_mem>>) src(%dma_wait3A_97 : memref<128xi32, #tpu.memory_space<hbm>>) dst(%dma_wait3A_96 : memref<128xi32, #tpu.memory_space<vmem>>)
      %run_scoped3A = arith.constant 0 : i32
      "tpu.region"() ({
        %run_scoped3A_131 = tpu.sem_alloc : memref<!tpu.dma_semaphore, #tpu.memory_space<semaphore_mem>>
        %dma_start3A_132 = arith.constant 0 : i32
        %dma_start3A_133 = tpu.memref_slice %arg10[%run_scoped3A, %dma_start3A_132] : memref<1x128xi32, #tpu.memory_space<vmem>> -> memref<1x128xi32, #tpu.memory_space<vmem>>
        %dma_start3A_134 = tpu.memref_squeeze %dma_start3A_133 : memref<1x128xi32, #tpu.memory_space<vmem>> -> memref<128xi32, #tpu.memory_space<vmem>>
        %dma_start3A_135 = arith.constant 0 : i32
        %dma_start3A_136 = arith.constant 0 : i32
        %dma_start3A_137 = tpu.memref_slice %arg7[%dma_start3A_135, %dma_start3A_136] : memref<10240x128xf32, #tpu.memory_space<vmem_shared>> -> memref<10240x128xf32, #tpu.memory_space<vmem_shared>>
        tpu.enqueue_indirect_dma source(%arg12 : memref<128x128xf32, #tpu.memory_space<vmem>>) target(%dma_start3A_137 : memref<10240x128xf32, #tpu.memory_space<vmem_shared>>) offsets(%dma_start3A_134 : memref<128xi32, #tpu.memory_space<vmem>>) semaphore(%run_scoped3A_131 : memref<!tpu.dma_semaphore, #tpu.memory_space<semaphore_mem>>) {add = true}
        %dma_wait3A_138 = arith.constant 0 : i32
        %dma_wait3A_139 = tpu.memref_slice %arg10[%run_scoped3A, %dma_wait3A_138] : memref<1x128xi32, #tpu.memory_space<vmem>> -> memref<1x128xi32, #tpu.memory_space<vmem>>
        %dma_wait3A_140 = tpu.memref_squeeze %dma_wait3A_139 : memref<1x128xi32, #tpu.memory_space<vmem>> -> memref<128xi32, #tpu.memory_space<vmem>>
        %dma_wait3A_141 = arith.constant 0 : i32
        %dma_wait3A_142 = arith.constant 0 : i32
        %dma_wait3A_143 = tpu.memref_slice %arg7[%dma_wait3A_141, %dma_wait3A_142] : memref<10240x128xf32, #tpu.memory_space<vmem_shared>> -> memref<10240x128xf32, #tpu.memory_space<vmem_shared>>
        tpu.wait_indirect_dma semaphore(%run_scoped3A_131 : memref<!tpu.dma_semaphore, #tpu.memory_space<semaphore_mem>>) src(%arg12 : memref<128x128xf32, #tpu.memory_space<vmem>>) dst(%dma_wait3A_143 : memref<10240x128xf32, #tpu.memory_space<vmem_shared>>)
        tpu.yield
      }) : () -> ()
      %dma_wait3A_98 = arith.constant 0 : i32
      %dma_wait3A_99 = arith.constant 0 : i32
      %dma_wait3A_100 = tpu.memref_slice %arg9[%dma_wait3A_98, %dma_wait3A_99] : memref<1x128xi32, #tpu.memory_space<vmem>> -> memref<1x128xi32, #tpu.memory_space<vmem>>
      %dma_wait3A_101 = tpu.memref_squeeze %dma_wait3A_100 : memref<1x128xi32, #tpu.memory_space<vmem>> -> memref<128xi32, #tpu.memory_space<vmem>>
      %dma_wait3A_102 = tpu.memref_slice %arg3[%add3A_43] : memref<327680xi32, #tpu.memory_space<hbm>> -> memref<128xi32, #tpu.memory_space<hbm>>
      %dma_wait3A_103 = arith.constant 0 : i32
      %dma_wait3A_104 = tpu.memref_slice %arg9[%dma_wait3A_98, %dma_wait3A_103] : memref<1x128xi32, #tpu.memory_space<vmem>> -> memref<1x128xi32, #tpu.memory_space<vmem>>
      %dma_wait3A_105 = tpu.memref_squeeze %dma_wait3A_104 : memref<1x128xi32, #tpu.memory_space<vmem>> -> memref<128xi32, #tpu.memory_space<vmem>>
      %dma_wait3A_106 = tpu.memref_slice %arg3[%add3A_43] : memref<327680xi32, #tpu.memory_space<hbm>> -> memref<128xi32, #tpu.memory_space<hbm>>
      tpu.wait_dma2 semaphore(%arg15 : memref<!tpu.dma_semaphore, #tpu.memory_space<semaphore_mem>>) src(%dma_wait3A_106 : memref<128xi32, #tpu.memory_space<hbm>>) dst(%dma_wait3A_105 : memref<128xi32, #tpu.memory_space<vmem>>)
      %dma_start3A_107 = arith.constant 0 : i32
      %dma_start3A_108 = arith.constant 0 : i32
      %dma_start3A_109 = tpu.memref_slice %arg9[%dma_start3A_107, %dma_start3A_108] : memref<1x128xi32, #tpu.memory_space<vmem>> -> memref<1x128xi32, #tpu.memory_space<vmem>>
      %dma_start3A_110 = tpu.memref_squeeze %dma_start3A_109 : memref<1x128xi32, #tpu.memory_space<vmem>> -> memref<128xi32, #tpu.memory_space<vmem>>
      %dma_start3A_111 = arith.constant 0 : i32
      %dma_start3A_112 = arith.constant 0 : i32
      %dma_start3A_113 = tpu.memref_slice %arg2[%dma_start3A_111, %dma_start3A_112] : memref<10240x128xf32, #tpu.memory_space<hbm>> -> memref<10240x128xf32, #tpu.memory_space<hbm>>
      tpu.enqueue_indirect_dma source(%dma_start3A_113 : memref<10240x128xf32, #tpu.memory_space<hbm>>) target(%arg13 : memref<128x128xf32, #tpu.memory_space<vmem>>) offsets(%dma_start3A_110 : memref<128xi32, #tpu.memory_space<vmem>>) semaphore(%arg19 : memref<!tpu.dma_semaphore, #tpu.memory_space<semaphore_mem>>)
      %dma_wait3A_114 = arith.constant 0 : i32
      %dma_wait3A_115 = arith.constant 0 : i32
      %dma_wait3A_116 = tpu.memref_slice %arg9[%dma_wait3A_114, %dma_wait3A_115] : memref<1x128xi32, #tpu.memory_space<vmem>> -> memref<1x128xi32, #tpu.memory_space<vmem>>
      %dma_wait3A_117 = tpu.memref_squeeze %dma_wait3A_116 : memref<1x128xi32, #tpu.memory_space<vmem>> -> memref<128xi32, #tpu.memory_space<vmem>>
      %dma_wait3A_118 = arith.constant 0 : i32
      %dma_wait3A_119 = arith.constant 0 : i32
      %dma_wait3A_120 = tpu.memref_slice %arg2[%dma_wait3A_118, %dma_wait3A_119] : memref<10240x128xf32, #tpu.memory_space<hbm>> -> memref<10240x128xf32, #tpu.memory_space<hbm>>
      tpu.wait_indirect_dma semaphore(%arg19 : memref<!tpu.dma_semaphore, #tpu.memory_space<semaphore_mem>>) src(%dma_wait3A_120 : memref<10240x128xf32, #tpu.memory_space<hbm>>) dst(%arg13 : memref<128x128xf32, #tpu.memory_space<vmem>>)
      %dma_wait3A_121 = arith.constant 0 : i32
      %dma_wait3A_122 = arith.constant 0 : i32
      %dma_wait3A_123 = tpu.memref_slice %arg11[%dma_wait3A_121, %dma_wait3A_122] : memref<1x128xi32, #tpu.memory_space<vmem>> -> memref<1x128xi32, #tpu.memory_space<vmem>>
      %dma_wait3A_124 = tpu.memref_squeeze %dma_wait3A_123 : memref<1x128xi32, #tpu.memory_space<vmem>> -> memref<128xi32, #tpu.memory_space<vmem>>
      %dma_wait3A_125 = tpu.memref_slice %arg4[%add3A_57] : memref<327680xi32, #tpu.memory_space<hbm>> -> memref<128xi32, #tpu.memory_space<hbm>>
      %dma_wait3A_126 = arith.constant 0 : i32
      %dma_wait3A_127 = tpu.memref_slice %arg11[%dma_wait3A_121, %dma_wait3A_126] : memref<1x128xi32, #tpu.memory_space<vmem>> -> memref<1x128xi32, #tpu.memory_space<vmem>>
      %dma_wait3A_128 = tpu.memref_squeeze %dma_wait3A_127 : memref<1x128xi32, #tpu.memory_space<vmem>> -> memref<128xi32, #tpu.memory_space<vmem>>
      %dma_wait3A_129 = tpu.memref_slice %arg4[%add3A_57] : memref<327680xi32, #tpu.memory_space<hbm>> -> memref<128xi32, #tpu.memory_space<hbm>>
      tpu.wait_dma2 semaphore(%arg17 : memref<!tpu.dma_semaphore, #tpu.memory_space<semaphore_mem>>) src(%dma_wait3A_129 : memref<128xi32, #tpu.memory_space<hbm>>) dst(%dma_wait3A_128 : memref<128xi32, #tpu.memory_space<vmem>>)
      %run_scoped3A_130 = arith.constant 0 : i32
      "tpu.region"() ({
        %run_scoped3A_131 = tpu.sem_alloc : memref<!tpu.dma_semaphore, #tpu.memory_space<semaphore_mem>>
        %dma_start3A_132 = arith.constant 0 : i32
        %dma_start3A_133 = tpu.memref_slice %arg11[%run_scoped3A_130, %dma_start3A_132] : memref<1x128xi32, #tpu.memory_space<vmem>> -> memref<1x128xi32, #tpu.memory_space<vmem>>
        %dma_start3A_134 = tpu.memref_squeeze %dma_start3A_133 : memref<1x128xi32, #tpu.memory_space<vmem>> -> memref<128xi32, #tpu.memory_space<vmem>>
        %dma_start3A_135 = arith.constant 0 : i32
        %dma_start3A_136 = arith.constant 0 : i32
        %dma_start3A_137 = tpu.memref_slice %arg7[%dma_start3A_135, %dma_start3A_136] : memref<10240x128xf32, #tpu.memory_space<vmem_shared>> -> memref<10240x128xf32, #tpu.memory_space<vmem_shared>>
        tpu.enqueue_indirect_dma source(%arg13 : memref<128x128xf32, #tpu.memory_space<vmem>>) target(%dma_start3A_137 : memref<10240x128xf32, #tpu.memory_space<vmem_shared>>) offsets(%dma_start3A_134 : memref<128xi32, #tpu.memory_space<vmem>>) semaphore(%run_scoped3A_131 : memref<!tpu.dma_semaphore, #tpu.memory_space<semaphore_mem>>) {add = true}
        %dma_wait3A_138 = arith.constant 0 : i32
        %dma_wait3A_139 = tpu.memref_slice %arg11[%run_scoped3A_130, %dma_wait3A_138] : memref<1x128xi32, #tpu.memory_space<vmem>> -> memref<1x128xi32, #tpu.memory_space<vmem>>
        %dma_wait3A_140 = tpu.memref_squeeze %dma_wait3A_139 : memref<1x128xi32, #tpu.memory_space<vmem>> -> memref<128xi32, #tpu.memory_space<vmem>>
        %dma_wait3A_141 = arith.constant 0 : i32
        %dma_wait3A_142 = arith.constant 0 : i32
        %dma_wait3A_143 = tpu.memref_slice %arg7[%dma_wait3A_141, %dma_wait3A_142] : memref<10240x128xf32, #tpu.memory_space<vmem_shared>> -> memref<10240x128xf32, #tpu.memory_space<vmem_shared>>
        tpu.wait_indirect_dma semaphore(%run_scoped3A_131 : memref<!tpu.dma_semaphore, #tpu.memory_space<semaphore_mem>>) src(%arg13 : memref<128x128xf32, #tpu.memory_space<vmem>>) dst(%dma_wait3A_143 : memref<10240x128xf32, #tpu.memory_space<vmem_shared>>)
        tpu.yield
      }) : () -> ()
    }
    %scan3A_9 = arith.constant 40 : i32
    %barrier3A_10 = arith.constant 0 : index
    tpu.barrier barrier_id(%barrier3A_10)
    %mul3A_11 = arith.constant 640 : i32
    %mul3A_12 = arith.muli %arg1, %mul3A_11 : i32
    "tpu.region"() ({
      %run_scoped3A = tpu.sem_alloc : memref<!tpu.dma_semaphore, #tpu.memory_space<semaphore_mem>>
      %dma_start3A = arith.constant 0 : i32
      %dma_start3A_13 = arith.constant 0 : i32
      %dma_start3A_14 = tpu.memref_slice %arg6[%arg0, %arg1, %dma_start3A, %dma_start3A_13] : memref<2x16x640x128xf32, #tpu.memory_space<hbm>> -> memref<1x1x640x128xf32, #tpu.memory_space<hbm>>
      %dma_start3A_15 = tpu.memref_squeeze %dma_start3A_14 : memref<1x1x640x128xf32, #tpu.memory_space<hbm>> -> memref<640x128xf32, #tpu.memory_space<hbm>>
      %dma_start3A_16 = arith.constant 0 : i32
      %dma_start3A_17 = tpu.memref_slice %arg7[%mul3A_12, %dma_start3A_16] : memref<10240x128xf32, #tpu.memory_space<vmem_shared>> -> memref<640x128xf32, #tpu.memory_space<vmem_shared>>
      tpu.enqueue_dma source(%dma_start3A_17 : memref<640x128xf32, #tpu.memory_space<vmem_shared>>) target(%dma_start3A_15 : memref<640x128xf32, #tpu.memory_space<hbm>>) target_semaphore(%run_scoped3A : memref<!tpu.dma_semaphore, #tpu.memory_space<semaphore_mem>>)
      %dma_wait3A = arith.constant 0 : i32
      %dma_wait3A_18 = arith.constant 0 : i32
      %dma_wait3A_19 = tpu.memref_slice %arg6[%arg0, %arg1, %dma_wait3A, %dma_wait3A_18] : memref<2x16x640x128xf32, #tpu.memory_space<hbm>> -> memref<1x1x640x128xf32, #tpu.memory_space<hbm>>
      %dma_wait3A_20 = tpu.memref_squeeze %dma_wait3A_19 : memref<1x1x640x128xf32, #tpu.memory_space<hbm>> -> memref<640x128xf32, #tpu.memory_space<hbm>>
      %dma_wait3A_21 = arith.constant 0 : i32
      %dma_wait3A_22 = tpu.memref_slice %arg7[%mul3A_12, %dma_wait3A_21] : memref<10240x128xf32, #tpu.memory_space<vmem_shared>> -> memref<640x128xf32, #tpu.memory_space<vmem_shared>>
      tpu.wait_dma2 semaphore(%run_scoped3A : memref<!tpu.dma_semaphore, #tpu.memory_space<semaphore_mem>>) src(%dma_wait3A_22 : memref<640x128xf32, #tpu.memory_space<vmem_shared>>) dst(%dma_wait3A_20 : memref<640x128xf32, #tpu.memory_space<hbm>>)
      tpu.yield
    }) : () -> ()
    return
  }
}

#map = affine_map<(d0, d1) -> (0)>
#map1 = affine_map<(d0, d1) -> (0, 0)>
#map2 = affine_map<(d0, d1) -> (0, 0, 0, 0)>
module attributes {stable_mosaic.version = 14 : i64} {
  func.func @_deg_body(%arg0: i32, %arg1: i32, %arg2: memref<327680xi32, #tpu.memory_space<hbm>>, %arg3: memref<640x16xf32, #tpu.memory_space<hbm>>, %arg4: memref<80x16xf32, #tpu.memory_space<hbm>>, %arg5: memref<2x16x640x16xf32, #tpu.memory_space<hbm>>, %arg6: memref<10240x16xf32, #tpu.memory_space<vmem_shared>>, %arg7: memref<1x80xi32, #tpu.memory_space<vmem>>, %arg8: memref<80x16xf32, #tpu.memory_space<vmem>>) attributes {dimension_semantics = [#tpu.dimension_semantics<core_parallel>, #tpu.dimension_semantics<subcore_parallel>], iteration_bounds = array<i64: 2, 16>, scalar_prefetch = 0 : i64, scratch_operands = 3 : i64, tpu.core_type = #tpu.core_type<sc_vector_subcore>, window_params = [{transform_indices = #map}, {transform_indices = #map1}, {transform_indices = #map1}, {transform_indices = #map2}]} {
    %mul3A = arith.constant 16 : i32
    %mul3A_0 = arith.muli %arg0, %mul3A : i32
    %add3A = arith.addi %mul3A_0, %arg1 : i32
    "tpu.region"() ({
      %run_scoped3A = tpu.sem_alloc : memref<!tpu.dma_semaphore, #tpu.memory_space<semaphore_mem>>
      tpu.enqueue_dma source(%arg4 : memref<80x16xf32, #tpu.memory_space<hbm>>) target(%arg8 : memref<80x16xf32, #tpu.memory_space<vmem>>) target_semaphore(%run_scoped3A : memref<!tpu.dma_semaphore, #tpu.memory_space<semaphore_mem>>)
      tpu.wait_dma2 semaphore(%run_scoped3A : memref<!tpu.dma_semaphore, #tpu.memory_space<semaphore_mem>>) src(%arg4 : memref<80x16xf32, #tpu.memory_space<hbm>>) dst(%arg8 : memref<80x16xf32, #tpu.memory_space<vmem>>)
      tpu.yield
    }) : () -> ()
    %mul3A_1 = arith.constant 640 : i32
    %mul3A_2 = arith.muli %arg1, %mul3A_1 : i32
    "tpu.region"() ({
      %run_scoped3A = tpu.sem_alloc : memref<!tpu.dma_semaphore, #tpu.memory_space<semaphore_mem>>
      %dma_start3A = arith.constant 0 : i32
      %dma_start3A_13 = tpu.memref_slice %arg6[%mul3A_2, %dma_start3A] : memref<10240x16xf32, #tpu.memory_space<vmem_shared>> -> memref<640x16xf32, #tpu.memory_space<vmem_shared>>
      tpu.enqueue_dma source(%arg3 : memref<640x16xf32, #tpu.memory_space<hbm>>) target(%dma_start3A_13 : memref<640x16xf32, #tpu.memory_space<vmem_shared>>) target_semaphore(%run_scoped3A : memref<!tpu.dma_semaphore, #tpu.memory_space<semaphore_mem>>)
      %dma_wait3A = arith.constant 0 : i32
      %dma_wait3A_14 = tpu.memref_slice %arg6[%mul3A_2, %dma_wait3A] : memref<10240x16xf32, #tpu.memory_space<vmem_shared>> -> memref<640x16xf32, #tpu.memory_space<vmem_shared>>
      tpu.wait_dma2 semaphore(%run_scoped3A : memref<!tpu.dma_semaphore, #tpu.memory_space<semaphore_mem>>) src(%arg3 : memref<640x16xf32, #tpu.memory_space<hbm>>) dst(%dma_wait3A_14 : memref<640x16xf32, #tpu.memory_space<vmem_shared>>)
      tpu.yield
    }) : () -> ()
    %barrier3A = arith.constant 0 : index
    tpu.barrier barrier_id(%barrier3A)
    %mul3A_3 = arith.constant 10240 : i32
    %mul3A_4 = arith.muli %add3A, %mul3A_3 : i32
    %scan3A = arith.constant 0 : i32
    %scan3A_5 = arith.constant 0 : i32
    %scan3A_6 = arith.constant 128 : i32
    %scan3A_7 = arith.addi %scan3A_5, %scan3A_6 : i32
    %scan3A_8 = arith.constant 1 : i32
    scf.for %scan3A_13 = %scan3A_5 to %scan3A_7 step %scan3A_8  : i32 {
      %mul3A_14 = arith.constant 80 : i32
      %mul3A_15 = arith.muli %scan3A_13, %mul3A_14 : i32
      %add3A_16 = arith.addi %mul3A_4, %mul3A_15 : i32
      %run_scoped3A = arith.constant 0 : i32
      "tpu.region"() ({
        %run_scoped3A_18 = tpu.sem_alloc : memref<!tpu.dma_semaphore, #tpu.memory_space<semaphore_mem>>
        %dma_start3A = arith.constant 0 : i32
        %dma_start3A_19 = tpu.memref_slice %arg7[%run_scoped3A, %dma_start3A] : memref<1x80xi32, #tpu.memory_space<vmem>> -> memref<1x80xi32, #tpu.memory_space<vmem>>
        %dma_start3A_20 = tpu.memref_squeeze %dma_start3A_19 : memref<1x80xi32, #tpu.memory_space<vmem>> -> memref<80xi32, #tpu.memory_space<vmem>>
        %dma_start3A_21 = tpu.memref_slice %arg2[%add3A_16] : memref<327680xi32, #tpu.memory_space<hbm>> -> memref<80xi32, #tpu.memory_space<hbm>>
        %dma_start3A_22 = arith.constant 0 : i32
        %dma_start3A_23 = tpu.memref_slice %arg7[%run_scoped3A, %dma_start3A_22] : memref<1x80xi32, #tpu.memory_space<vmem>> -> memref<1x80xi32, #tpu.memory_space<vmem>>
        %dma_start3A_24 = tpu.memref_squeeze %dma_start3A_23 : memref<1x80xi32, #tpu.memory_space<vmem>> -> memref<80xi32, #tpu.memory_space<vmem>>
        %dma_start3A_25 = tpu.memref_slice %arg2[%add3A_16] : memref<327680xi32, #tpu.memory_space<hbm>> -> memref<80xi32, #tpu.memory_space<hbm>>
        tpu.enqueue_dma source(%dma_start3A_25 : memref<80xi32, #tpu.memory_space<hbm>>) target(%dma_start3A_24 : memref<80xi32, #tpu.memory_space<vmem>>) target_semaphore(%run_scoped3A_18 : memref<!tpu.dma_semaphore, #tpu.memory_space<semaphore_mem>>)
        %dma_wait3A = arith.constant 0 : i32
        %dma_wait3A_26 = tpu.memref_slice %arg7[%run_scoped3A, %dma_wait3A] : memref<1x80xi32, #tpu.memory_space<vmem>> -> memref<1x80xi32, #tpu.memory_space<vmem>>
        %dma_wait3A_27 = tpu.memref_squeeze %dma_wait3A_26 : memref<1x80xi32, #tpu.memory_space<vmem>> -> memref<80xi32, #tpu.memory_space<vmem>>
        %dma_wait3A_28 = tpu.memref_slice %arg2[%add3A_16] : memref<327680xi32, #tpu.memory_space<hbm>> -> memref<80xi32, #tpu.memory_space<hbm>>
        %dma_wait3A_29 = arith.constant 0 : i32
        %dma_wait3A_30 = tpu.memref_slice %arg7[%run_scoped3A, %dma_wait3A_29] : memref<1x80xi32, #tpu.memory_space<vmem>> -> memref<1x80xi32, #tpu.memory_space<vmem>>
        %dma_wait3A_31 = tpu.memref_squeeze %dma_wait3A_30 : memref<1x80xi32, #tpu.memory_space<vmem>> -> memref<80xi32, #tpu.memory_space<vmem>>
        %dma_wait3A_32 = tpu.memref_slice %arg2[%add3A_16] : memref<327680xi32, #tpu.memory_space<hbm>> -> memref<80xi32, #tpu.memory_space<hbm>>
        tpu.wait_dma2 semaphore(%run_scoped3A_18 : memref<!tpu.dma_semaphore, #tpu.memory_space<semaphore_mem>>) src(%dma_wait3A_32 : memref<80xi32, #tpu.memory_space<hbm>>) dst(%dma_wait3A_31 : memref<80xi32, #tpu.memory_space<vmem>>)
        tpu.yield
      }) : () -> ()
      %run_scoped3A_17 = arith.constant 0 : i32
      "tpu.region"() ({
        %run_scoped3A_18 = tpu.sem_alloc : memref<!tpu.dma_semaphore, #tpu.memory_space<semaphore_mem>>
        %dma_start3A = arith.constant 0 : i32
        %dma_start3A_19 = tpu.memref_slice %arg7[%run_scoped3A_17, %dma_start3A] : memref<1x80xi32, #tpu.memory_space<vmem>> -> memref<1x80xi32, #tpu.memory_space<vmem>>
        %dma_start3A_20 = tpu.memref_squeeze %dma_start3A_19 : memref<1x80xi32, #tpu.memory_space<vmem>> -> memref<80xi32, #tpu.memory_space<vmem>>
        %dma_start3A_21 = arith.constant 0 : i32
        %dma_start3A_22 = arith.constant 0 : i32
        %dma_start3A_23 = tpu.memref_slice %arg6[%dma_start3A_21, %dma_start3A_22] : memref<10240x16xf32, #tpu.memory_space<vmem_shared>> -> memref<10240x16xf32, #tpu.memory_space<vmem_shared>>
        tpu.enqueue_indirect_dma source(%arg8 : memref<80x16xf32, #tpu.memory_space<vmem>>) target(%dma_start3A_23 : memref<10240x16xf32, #tpu.memory_space<vmem_shared>>) offsets(%dma_start3A_20 : memref<80xi32, #tpu.memory_space<vmem>>) semaphore(%run_scoped3A_18 : memref<!tpu.dma_semaphore, #tpu.memory_space<semaphore_mem>>) {add = true}
        %dma_wait3A = arith.constant 0 : i32
        %dma_wait3A_24 = tpu.memref_slice %arg7[%run_scoped3A_17, %dma_wait3A] : memref<1x80xi32, #tpu.memory_space<vmem>> -> memref<1x80xi32, #tpu.memory_space<vmem>>
        %dma_wait3A_25 = tpu.memref_squeeze %dma_wait3A_24 : memref<1x80xi32, #tpu.memory_space<vmem>> -> memref<80xi32, #tpu.memory_space<vmem>>
        %dma_wait3A_26 = arith.constant 0 : i32
        %dma_wait3A_27 = arith.constant 0 : i32
        %dma_wait3A_28 = tpu.memref_slice %arg6[%dma_wait3A_26, %dma_wait3A_27] : memref<10240x16xf32, #tpu.memory_space<vmem_shared>> -> memref<10240x16xf32, #tpu.memory_space<vmem_shared>>
        tpu.wait_indirect_dma semaphore(%run_scoped3A_18 : memref<!tpu.dma_semaphore, #tpu.memory_space<semaphore_mem>>) src(%arg8 : memref<80x16xf32, #tpu.memory_space<vmem>>) dst(%dma_wait3A_28 : memref<10240x16xf32, #tpu.memory_space<vmem_shared>>)
        tpu.yield
      }) : () -> ()
    }
    %scan3A_9 = arith.constant 128 : i32
    %barrier3A_10 = arith.constant 0 : index
    tpu.barrier barrier_id(%barrier3A_10)
    %mul3A_11 = arith.constant 640 : i32
    %mul3A_12 = arith.muli %arg1, %mul3A_11 : i32
    "tpu.region"() ({
      %run_scoped3A = tpu.sem_alloc : memref<!tpu.dma_semaphore, #tpu.memory_space<semaphore_mem>>
      %dma_start3A = arith.constant 0 : i32
      %dma_start3A_13 = arith.constant 0 : i32
      %dma_start3A_14 = tpu.memref_slice %arg5[%arg0, %arg1, %dma_start3A, %dma_start3A_13] : memref<2x16x640x16xf32, #tpu.memory_space<hbm>> -> memref<1x1x640x16xf32, #tpu.memory_space<hbm>>
      %dma_start3A_15 = tpu.memref_squeeze %dma_start3A_14 : memref<1x1x640x16xf32, #tpu.memory_space<hbm>> -> memref<640x16xf32, #tpu.memory_space<hbm>>
      %dma_start3A_16 = arith.constant 0 : i32
      %dma_start3A_17 = tpu.memref_slice %arg6[%mul3A_12, %dma_start3A_16] : memref<10240x16xf32, #tpu.memory_space<vmem_shared>> -> memref<640x16xf32, #tpu.memory_space<vmem_shared>>
      tpu.enqueue_dma source(%dma_start3A_17 : memref<640x16xf32, #tpu.memory_space<vmem_shared>>) target(%dma_start3A_15 : memref<640x16xf32, #tpu.memory_space<hbm>>) target_semaphore(%run_scoped3A : memref<!tpu.dma_semaphore, #tpu.memory_space<semaphore_mem>>)
      %dma_wait3A = arith.constant 0 : i32
      %dma_wait3A_18 = arith.constant 0 : i32
      %dma_wait3A_19 = tpu.memref_slice %arg5[%arg0, %arg1, %dma_wait3A, %dma_wait3A_18] : memref<2x16x640x16xf32, #tpu.memory_space<hbm>> -> memref<1x1x640x16xf32, #tpu.memory_space<hbm>>
      %dma_wait3A_20 = tpu.memref_squeeze %dma_wait3A_19 : memref<1x1x640x16xf32, #tpu.memory_space<hbm>> -> memref<640x16xf32, #tpu.memory_space<hbm>>
      %dma_wait3A_21 = arith.constant 0 : i32
      %dma_wait3A_22 = tpu.memref_slice %arg6[%mul3A_12, %dma_wait3A_21] : memref<10240x16xf32, #tpu.memory_space<vmem_shared>> -> memref<640x16xf32, #tpu.memory_space<vmem_shared>>
      tpu.wait_dma2 semaphore(%run_scoped3A : memref<!tpu.dma_semaphore, #tpu.memory_space<semaphore_mem>>) src(%dma_wait3A_22 : memref<640x16xf32, #tpu.memory_space<vmem_shared>>) dst(%dma_wait3A_20 : memref<640x16xf32, #tpu.memory_space<hbm>>)
      tpu.yield
    }) : () -> ()
    return
  }
}

module attributes {stable_mosaic.version = 14 : i64} {
  func.func @_tc_a_body(%arg0: i32, %arg1: memref<400x128xf32, #tpu.memory_space<vmem>>, %arg2: memref<128x128xf32, #tpu.memory_space<vmem>>, %arg3: memref<2x400x16xf32, #tpu.memory_space<vmem>>, %arg4: memref<400x128xf32, #tpu.memory_space<vmem>>) attributes {dimension_semantics = [#tpu.dimension_semantics<arbitrary>], iteration_bounds = array<i64: 25>, scalar_prefetch = 0 : i64, scratch_operands = 0 : i64, tpu.core_type = #tpu.core_type<tc>, window_params = [{transform_indices = @transform_0, window_bounds = array<i64: 400, 128>}, {pipeline_mode = #tpu.pipeline_mode<synchronous>, transform_indices = @transform_1, window_bounds = array<i64: 128, 128>}, {transform_indices = @transform_2, window_bounds = array<i64: 2, 400, 16>}, {transform_indices = @transform_3, window_bounds = array<i64: 400, 128>}]} {
    %get3A = arith.constant 0 : index
    %get3A_0 = arith.constant 0 : index
    %get3A_1 = arith.constant 0 : index
    %get3A_2 = vector.load %arg3[%get3A, %get3A_0, %get3A_1] : memref<2x400x16xf32, #tpu.memory_space<vmem>>, vector<2x400x16xf32>
    %slice3A = vector.extract_strided_slice %get3A_2 {offsets = [0, 0, 0], sizes = [1, 400, 1], strides = [1, 1, 1]} : vector<2x400x16xf32> to vector<1x400x1xf32>
    %squeeze3A = vector.shape_cast %slice3A : vector<1x400x1xf32> to vector<400xf32>
    %slice3A_3 = vector.extract_strided_slice %get3A_2 {offsets = [1, 0, 0], sizes = [1, 400, 1], strides = [1, 1, 1]} : vector<2x400x16xf32> to vector<1x400x1xf32>
    %squeeze3A_4 = vector.shape_cast %slice3A_3 : vector<1x400x1xf32> to vector<400xf32>
    %add3A = arith.addf %squeeze3A, %squeeze3A_4 : vector<400xf32>
    %add3A_5 = arith.constant 1.000000e+00 : f32
    %add3A_6 = vector.broadcast %add3A_5 : f32 to vector<400xf32>
    %add3A_7 = arith.addf %add3A, %add3A_6 : vector<400xf32>
    %rsqrt3A = math.rsqrt %add3A_7 : vector<400xf32>
    %get3A_8 = arith.constant 0 : index
    %get3A_9 = arith.constant 0 : index
    %get3A_10 = vector.load %arg1[%get3A_8, %get3A_9] : memref<400x128xf32, #tpu.memory_space<vmem>>, vector<400x128xf32>
    %get3A_11 = arith.constant 0 : index
    %get3A_12 = arith.constant 0 : index
    %get3A_13 = vector.load %arg2[%get3A_11, %get3A_12] : memref<128x128xf32, #tpu.memory_space<vmem>>, vector<128x128xf32>
    %dot_general3A = arith.constant dense<0.000000e+00> : vector<400x128xf32>
    %dot_general3A_14 = tpu.matmul %get3A_10, %get3A_13, %dot_general3A {dimension_numbers = #tpu.dot_dimension_numbers<[1], [0], [0], [1], [0, 0, 1, 1], [], []>, transpose_lhs_hint = false} : vector<400x128xf32>, vector<128x128xf32>, vector<400x128xf32> -> vector<400x128xf32>
    %broadcast_in_dim3A = vector.shape_cast %rsqrt3A : vector<400xf32> to vector<400x1xf32>
    %mul3A = vector.broadcast %broadcast_in_dim3A : vector<400x1xf32> to vector<400x128xf32>
    %mul3A_15 = arith.mulf %dot_general3A_14, %mul3A : vector<400x128xf32>
    %swap3A = arith.constant 0 : index
    %swap3A_16 = arith.constant 0 : index
    %swap3A_17 = vector.load %arg4[%swap3A, %swap3A_16] : memref<400x128xf32, #tpu.memory_space<vmem>>, vector<400x128xf32>
    tpu.vector_store %arg4[%swap3A, %swap3A_16], %mul3A_15 {strides = array<i32>} : memref<400x128xf32, #tpu.memory_space<vmem>>, vector<400x128xf32>,
    return
  }
  func.func @transform_0(%arg0: i32) -> (i32, i32) {
    %c0_i32 = arith.constant 0 : i32
    %c0_i32_0 = arith.constant 0 : i32
    return %arg0, %c0_i32 : i32, i32
  }
  func.func @transform_1(%arg0: i32) -> (i32, i32) {
    %c0_i32 = arith.constant 0 : i32
    %c0_i32_0 = arith.constant 0 : i32
    %c0_i32_1 = arith.constant 0 : i32
    return %c0_i32, %c0_i32_0 : i32, i32
  }
  func.func @transform_2(%arg0: i32) -> (i32, i32, i32) {
    %c0_i32 = arith.constant 0 : i32
    %c0_i32_0 = arith.constant 0 : i32
    %c0_i32_1 = arith.constant 0 : i32
    return %c0_i32, %arg0, %c0_i32_0 : i32, i32, i32
  }
  func.func @transform_3(%arg0: i32) -> (i32, i32) {
    %c0_i32 = arith.constant 0 : i32
    %c0_i32_0 = arith.constant 0 : i32
    return %arg0, %c0_i32 : i32, i32
  }
}

module attributes {stable_mosaic.version = 14 : i64} {
  func.func @_tc_b_body(%arg0: i32, %arg1: memref<2x400x128xf32, #tpu.memory_space<vmem>>, %arg2: memref<400x128xf32, #tpu.memory_space<vmem>>, %arg3: memref<2x400x16xf32, #tpu.memory_space<vmem>>, %arg4: memref<1x128xf32, #tpu.memory_space<vmem>>, %arg5: memref<128x128xf32, #tpu.memory_space<vmem>>, %arg6: memref<400x128xf32, #tpu.memory_space<vmem>>) attributes {dimension_semantics = [#tpu.dimension_semantics<arbitrary>], iteration_bounds = array<i64: 25>, scalar_prefetch = 0 : i64, scratch_operands = 0 : i64, tpu.core_type = #tpu.core_type<tc>, window_params = [{transform_indices = @transform_0, window_bounds = array<i64: 2, 400, 128>}, {transform_indices = @transform_1, window_bounds = array<i64: 400, 128>}, {transform_indices = @transform_2, window_bounds = array<i64: 2, 400, 16>}, {pipeline_mode = #tpu.pipeline_mode<synchronous>, transform_indices = @transform_3, window_bounds = array<i64: 1, 128>}, {pipeline_mode = #tpu.pipeline_mode<synchronous>, transform_indices = @transform_4, window_bounds = array<i64: 128, 128>}, {transform_indices = @transform_5, window_bounds = array<i64: 400, 128>}]} {
    %get3A = arith.constant 0 : index
    %get3A_0 = arith.constant 0 : index
    %get3A_1 = arith.constant 0 : index
    %get3A_2 = vector.load %arg3[%get3A, %get3A_0, %get3A_1] : memref<2x400x16xf32, #tpu.memory_space<vmem>>, vector<2x400x16xf32>
    %slice3A = vector.extract_strided_slice %get3A_2 {offsets = [0, 0, 0], sizes = [1, 400, 1], strides = [1, 1, 1]} : vector<2x400x16xf32> to vector<1x400x1xf32>
    %squeeze3A = vector.shape_cast %slice3A : vector<1x400x1xf32> to vector<400xf32>
    %slice3A_3 = vector.extract_strided_slice %get3A_2 {offsets = [1, 0, 0], sizes = [1, 400, 1], strides = [1, 1, 1]} : vector<2x400x16xf32> to vector<1x400x1xf32>
    %squeeze3A_4 = vector.shape_cast %slice3A_3 : vector<1x400x1xf32> to vector<400xf32>
    %add3A = arith.addf %squeeze3A, %squeeze3A_4 : vector<400xf32>
    %add3A_5 = arith.constant 1.000000e+00 : f32
    %add3A_6 = vector.broadcast %add3A_5 : f32 to vector<400xf32>
    %add3A_7 = arith.addf %add3A, %add3A_6 : vector<400xf32>
    %rsqrt3A = math.rsqrt %add3A_7 : vector<400xf32>
    %get3A_8 = arith.constant 0 : index
    %get3A_9 = arith.constant 0 : index
    %get3A_10 = arith.constant 0 : index
    %get3A_11 = vector.load %arg1[%get3A_8, %get3A_9, %get3A_10] : memref<2x400x128xf32, #tpu.memory_space<vmem>>, vector<2x400x128xf32>
    %slice3A_12 = vector.extract_strided_slice %get3A_11 {offsets = [0, 0, 0], sizes = [1, 400, 128], strides = [1, 1, 1]} : vector<2x400x128xf32> to vector<1x400x128xf32>
    %squeeze3A_13 = vector.shape_cast %slice3A_12 : vector<1x400x128xf32> to vector<400x128xf32>
    %slice3A_14 = vector.extract_strided_slice %get3A_11 {offsets = [1, 0, 0], sizes = [1, 400, 128], strides = [1, 1, 1]} : vector<2x400x128xf32> to vector<1x400x128xf32>
    %squeeze3A_15 = vector.shape_cast %slice3A_14 : vector<1x400x128xf32> to vector<400x128xf32>
    %add3A_16 = arith.addf %squeeze3A_13, %squeeze3A_15 : vector<400x128xf32>
    %get3A_17 = arith.constant 0 : index
    %get3A_18 = arith.constant 0 : index
    %get3A_19 = vector.load %arg2[%get3A_17, %get3A_18] : memref<400x128xf32, #tpu.memory_space<vmem>>, vector<400x128xf32>
    %add3A_20 = arith.addf %add3A_16, %get3A_19 : vector<400x128xf32>
    %broadcast_in_dim3A = vector.shape_cast %rsqrt3A : vector<400xf32> to vector<400x1xf32>
    %mul3A = vector.broadcast %broadcast_in_dim3A : vector<400x1xf32> to vector<400x128xf32>
    %mul3A_21 = arith.mulf %add3A_20, %mul3A : vector<400x128xf32>
    %get3A_22 = arith.constant 0 : index
    %get3A_23 = arith.constant 0 : index
    %get3A_24 = vector.load %arg4[%get3A_22, %get3A_23] : memref<1x128xf32, #tpu.memory_space<vmem>>, vector<1x128xf32>
    %add3A_25 = vector.broadcast %get3A_24 : vector<1x128xf32> to vector<400x128xf32>
    %add3A_26 = arith.addf %mul3A_21, %add3A_25 : vector<400x128xf32>
    %max3A = arith.constant 0.000000e+00 : f32
    %max3A_27 = vector.broadcast %max3A : f32 to vector<400x128xf32>
    %max3A_28 = arith.maximumf %add3A_26, %max3A_27 : vector<400x128xf32>
    %get3A_29 = arith.constant 0 : index
    %get3A_30 = arith.constant 0 : index
    %get3A_31 = vector.load %arg5[%get3A_29, %get3A_30] : memref<128x128xf32, #tpu.memory_space<vmem>>, vector<128x128xf32>
    %dot_general3A = arith.constant dense<0.000000e+00> : vector<400x128xf32>
    %dot_general3A_32 = tpu.matmul %max3A_28, %get3A_31, %dot_general3A {dimension_numbers = #tpu.dot_dimension_numbers<[1], [0], [0], [1], [0, 0, 1, 1], [], []>, transpose_lhs_hint = false} : vector<400x128xf32>, vector<128x128xf32>, vector<400x128xf32> -> vector<400x128xf32>
    %broadcast_in_dim3A_33 = vector.shape_cast %rsqrt3A : vector<400xf32> to vector<400x1xf32>
    %mul3A_34 = vector.broadcast %broadcast_in_dim3A_33 : vector<400x1xf32> to vector<400x128xf32>
    %mul3A_35 = arith.mulf %dot_general3A_32, %mul3A_34 : vector<400x128xf32>
    %swap3A = arith.constant 0 : index
    %swap3A_36 = arith.constant 0 : index
    %swap3A_37 = vector.load %arg6[%swap3A, %swap3A_36] : memref<400x128xf32, #tpu.memory_space<vmem>>, vector<400x128xf32>
    tpu.vector_store %arg6[%swap3A, %swap3A_36], %mul3A_35 {strides = array<i32>} : memref<400x128xf32, #tpu.memory_space<vmem>>, vector<400x128xf32>,
    return
  }
  func.func @transform_0(%arg0: i32) -> (i32, i32, i32) {
    %c0_i32 = arith.constant 0 : i32
    %c0_i32_0 = arith.constant 0 : i32
    %c0_i32_1 = arith.constant 0 : i32
    return %c0_i32, %arg0, %c0_i32_0 : i32, i32, i32
  }
  func.func @transform_1(%arg0: i32) -> (i32, i32) {
    %c0_i32 = arith.constant 0 : i32
    %c0_i32_0 = arith.constant 0 : i32
    return %arg0, %c0_i32 : i32, i32
  }
  func.func @transform_2(%arg0: i32) -> (i32, i32, i32) {
    %c0_i32 = arith.constant 0 : i32
    %c0_i32_0 = arith.constant 0 : i32
    %c0_i32_1 = arith.constant 0 : i32
    return %c0_i32, %arg0, %c0_i32_0 : i32, i32, i32
  }
  func.func @transform_3(%arg0: i32) -> (i32, i32) {
    %c0_i32 = arith.constant 0 : i32
    %c0_i32_0 = arith.constant 0 : i32
    %c0_i32_1 = arith.constant 0 : i32
    return %c0_i32, %c0_i32_0 : i32, i32
  }
  func.func @transform_4(%arg0: i32) -> (i32, i32) {
    %c0_i32 = arith.constant 0 : i32
    %c0_i32_0 = arith.constant 0 : i32
    %c0_i32_1 = arith.constant 0 : i32
    return %c0_i32, %c0_i32_0 : i32, i32
  }
  func.func @transform_5(%arg0: i32) -> (i32, i32) {
    %c0_i32 = arith.constant 0 : i32
    %c0_i32_0 = arith.constant 0 : i32
    return %arg0, %c0_i32 : i32, i32
  }
}

module attributes {stable_mosaic.version = 14 : i64} {
  func.func @_tc_c_body(%arg0: i32, %arg1: memref<2x400x128xf32, #tpu.memory_space<vmem>>, %arg2: memref<400x128xf32, #tpu.memory_space<vmem>>, %arg3: memref<2x400x16xf32, #tpu.memory_space<vmem>>, %arg4: memref<1x128xf32, #tpu.memory_space<vmem>>, %arg5: memref<128x128xf32, #tpu.memory_space<vmem>>, %arg6: memref<1x128xf32, #tpu.memory_space<vmem>>, %arg7: memref<400x128xf32, #tpu.memory_space<vmem>>) attributes {dimension_semantics = [#tpu.dimension_semantics<arbitrary>], iteration_bounds = array<i64: 25>, scalar_prefetch = 0 : i64, scratch_operands = 0 : i64, tpu.core_type = #tpu.core_type<tc>, window_params = [{transform_indices = @transform_0, window_bounds = array<i64: 2, 400, 128>}, {transform_indices = @transform_1, window_bounds = array<i64: 400, 128>}, {transform_indices = @transform_2, window_bounds = array<i64: 2, 400, 16>}, {pipeline_mode = #tpu.pipeline_mode<synchronous>, transform_indices = @transform_3, window_bounds = array<i64: 1, 128>}, {pipeline_mode = #tpu.pipeline_mode<synchronous>, transform_indices = @transform_4, window_bounds = array<i64: 128, 128>}, {pipeline_mode = #tpu.pipeline_mode<synchronous>, transform_indices = @transform_5, window_bounds = array<i64: 1, 128>}, {transform_indices = @transform_6, window_bounds = array<i64: 400, 128>}]} {
    %get3A = arith.constant 0 : index
    %get3A_0 = arith.constant 0 : index
    %get3A_1 = arith.constant 0 : index
    %get3A_2 = vector.load %arg3[%get3A, %get3A_0, %get3A_1] : memref<2x400x16xf32, #tpu.memory_space<vmem>>, vector<2x400x16xf32>
    %slice3A = vector.extract_strided_slice %get3A_2 {offsets = [0, 0, 0], sizes = [1, 400, 1], strides = [1, 1, 1]} : vector<2x400x16xf32> to vector<1x400x1xf32>
    %squeeze3A = vector.shape_cast %slice3A : vector<1x400x1xf32> to vector<400xf32>
    %slice3A_3 = vector.extract_strided_slice %get3A_2 {offsets = [1, 0, 0], sizes = [1, 400, 1], strides = [1, 1, 1]} : vector<2x400x16xf32> to vector<1x400x1xf32>
    %squeeze3A_4 = vector.shape_cast %slice3A_3 : vector<1x400x1xf32> to vector<400xf32>
    %add3A = arith.addf %squeeze3A, %squeeze3A_4 : vector<400xf32>
    %add3A_5 = arith.constant 1.000000e+00 : f32
    %add3A_6 = vector.broadcast %add3A_5 : f32 to vector<400xf32>
    %add3A_7 = arith.addf %add3A, %add3A_6 : vector<400xf32>
    %rsqrt3A = math.rsqrt %add3A_7 : vector<400xf32>
    %get3A_8 = arith.constant 0 : index
    %get3A_9 = arith.constant 0 : index
    %get3A_10 = arith.constant 0 : index
    %get3A_11 = vector.load %arg1[%get3A_8, %get3A_9, %get3A_10] : memref<2x400x128xf32, #tpu.memory_space<vmem>>, vector<2x400x128xf32>
    %slice3A_12 = vector.extract_strided_slice %get3A_11 {offsets = [0, 0, 0], sizes = [1, 400, 128], strides = [1, 1, 1]} : vector<2x400x128xf32> to vector<1x400x128xf32>
    %squeeze3A_13 = vector.shape_cast %slice3A_12 : vector<1x400x128xf32> to vector<400x128xf32>
    %slice3A_14 = vector.extract_strided_slice %get3A_11 {offsets = [1, 0, 0], sizes = [1, 400, 128], strides = [1, 1, 1]} : vector<2x400x128xf32> to vector<1x400x128xf32>
    %squeeze3A_15 = vector.shape_cast %slice3A_14 : vector<1x400x128xf32> to vector<400x128xf32>
    %add3A_16 = arith.addf %squeeze3A_13, %squeeze3A_15 : vector<400x128xf32>
    %get3A_17 = arith.constant 0 : index
    %get3A_18 = arith.constant 0 : index
    %get3A_19 = vector.load %arg2[%get3A_17, %get3A_18] : memref<400x128xf32, #tpu.memory_space<vmem>>, vector<400x128xf32>
    %add3A_20 = arith.addf %add3A_16, %get3A_19 : vector<400x128xf32>
    %broadcast_in_dim3A = vector.shape_cast %rsqrt3A : vector<400xf32> to vector<400x1xf32>
    %mul3A = vector.broadcast %broadcast_in_dim3A : vector<400x1xf32> to vector<400x128xf32>
    %mul3A_21 = arith.mulf %add3A_20, %mul3A : vector<400x128xf32>
    %get3A_22 = arith.constant 0 : index
    %get3A_23 = arith.constant 0 : index
    %get3A_24 = vector.load %arg4[%get3A_22, %get3A_23] : memref<1x128xf32, #tpu.memory_space<vmem>>, vector<1x128xf32>
    %add3A_25 = vector.broadcast %get3A_24 : vector<1x128xf32> to vector<400x128xf32>
    %add3A_26 = arith.addf %mul3A_21, %add3A_25 : vector<400x128xf32>
    %max3A = arith.constant 0.000000e+00 : f32
    %max3A_27 = vector.broadcast %max3A : f32 to vector<400x128xf32>
    %max3A_28 = arith.maximumf %add3A_26, %max3A_27 : vector<400x128xf32>
    %get3A_29 = arith.constant 0 : index
    %get3A_30 = arith.constant 0 : index
    %get3A_31 = vector.load %arg5[%get3A_29, %get3A_30] : memref<128x128xf32, #tpu.memory_space<vmem>>, vector<128x128xf32>
    %dot_general3A = arith.constant dense<0.000000e+00> : vector<400x128xf32>
    %dot_general3A_32 = tpu.matmul %max3A_28, %get3A_31, %dot_general3A {dimension_numbers = #tpu.dot_dimension_numbers<[1], [0], [0], [1], [0, 0, 1, 1], [], []>, transpose_lhs_hint = false} : vector<400x128xf32>, vector<128x128xf32>, vector<400x128xf32> -> vector<400x128xf32>
    %get3A_33 = arith.constant 0 : index
    %get3A_34 = arith.constant 0 : index
    %get3A_35 = vector.load %arg6[%get3A_33, %get3A_34] : memref<1x128xf32, #tpu.memory_space<vmem>>, vector<1x128xf32>
    %add3A_36 = vector.broadcast %get3A_35 : vector<1x128xf32> to vector<400x128xf32>
    %add3A_37 = arith.addf %dot_general3A_32, %add3A_36 : vector<400x128xf32>
    %swap3A = arith.constant 0 : index
    %swap3A_38 = arith.constant 0 : index
    %swap3A_39 = vector.load %arg7[%swap3A, %swap3A_38] : memref<400x128xf32, #tpu.memory_space<vmem>>, vector<400x128xf32>
    tpu.vector_store %arg7[%swap3A, %swap3A_38], %add3A_37 {strides = array<i32>} : memref<400x128xf32, #tpu.memory_space<vmem>>, vector<400x128xf32>,
    return
  }
  func.func @transform_0(%arg0: i32) -> (i32, i32, i32) {
    %c0_i32 = arith.constant 0 : i32
    %c0_i32_0 = arith.constant 0 : i32
    %c0_i32_1 = arith.constant 0 : i32
    return %c0_i32, %arg0, %c0_i32_0 : i32, i32, i32
  }
  func.func @transform_1(%arg0: i32) -> (i32, i32) {
    %c0_i32 = arith.constant 0 : i32
    %c0_i32_0 = arith.constant 0 : i32
    return %arg0, %c0_i32 : i32, i32
  }
  func.func @transform_2(%arg0: i32) -> (i32, i32, i32) {
    %c0_i32 = arith.constant 0 : i32
    %c0_i32_0 = arith.constant 0 : i32
    %c0_i32_1 = arith.constant 0 : i32
    return %c0_i32, %arg0, %c0_i32_0 : i32, i32, i32
  }
  func.func @transform_3(%arg0: i32) -> (i32, i32) {
    %c0_i32 = arith.constant 0 : i32
    %c0_i32_0 = arith.constant 0 : i32
    %c0_i32_1 = arith.constant 0 : i32
    return %c0_i32, %c0_i32_0 : i32, i32
  }
  func.func @transform_4(%arg0: i32) -> (i32, i32) {
    %c0_i32 = arith.constant 0 : i32
    %c0_i32_0 = arith.constant 0 : i32
    %c0_i32_1 = arith.constant 0 : i32
    return %c0_i32, %c0_i32_0 : i32, i32
  }
  func.func @transform_5(%arg0: i32) -> (i32, i32) {
    %c0_i32 = arith.constant 0 : i32
    %c0_i32_0 = arith.constant 0 : i32
    %c0_i32_1 = arith.constant 0 : i32
    return %c0_i32, %c0_i32_0 : i32, i32
  }
  func.func @transform_6(%arg0: i32) -> (i32, i32) {
    %c0_i32 = arith.constant 0 : i32
    %c0_i32_0 = arith.constant 0 : i32
    return %arg0, %c0_i32 : i32, i32
  }
}

</mosaic_0001>

<sc_bundles>
// kernel: kernel.11.cloned.1.call-start
scs
__scs_entry_jumppad:
0x0: {  	(pc) =	sbr.rel $0x88, $3  }
0x1: {  	(tag) =	ssettag $0x0;
	lr =	simm.s32 $0x1  }
0x2: {  	[smem:$0x3F99] =	sst lr;
	_ =	strace $0xD0000000  }
0x3: {  	_ = 	snop  }
0x4: {  	_ = 	snop  }
0x5: {  	_ = 	snop  }
0x6: {  	_ = 	snop  }
0x7: {  	_ = 	snop  }
__scs_overlays_trampoline_lowered:
0x8: {  	[smem:$0x3FA8] =	sst s0  }
0x9: {  	[smem:$0x3FA9] =	sst s1  }
0xa: {  	[smem:$0x3FAA] =	sst s2  }
0xb: {  	[smem:$0x3FAB] =	sst s3  }
0xc: {  	[smem:$0x3FAC] =	sst s4  }
0xd: {  	[smem:$0x3FAD] =	sst s5  }
0xe: {  	[smem:$0x3FAE] =	sst s6  }
0xf: {  	[smem:$0x3FAF] =	sst s7  }
0x10: {  	[smem:$0x3FB0] =	sst s8  }
0x11: {  	[smem:$0x3FB1] =	sst s9;
	s0 =	simm.s32 @!p0 $0x0  }
0x12: {  	s1 =	sld [smem:$0x3F97];
	s0 =	simm.s32 @p0 $0x1  }
0x13: {  	[smem:$0x3FB2] =	sst s0;
	s0 =	simm.s32 @!p1 $0x0  }
0x14: {  	s2 =	sld [smem:$0x3F96];
	s0 =	simm.s32 @p1 $0x1  }
0x15: {  	[smem:$0x3FB3] =	sst s0;
	s0 =	simm.s32 @!p2 $0x0  }
0x16: {  	s3 =	sld [smem:$0x3FDB];
	s0 =	simm.s32 @p2 $0x1  }
0x17: {  	s4 =	simm.s32 $0x1BF5;
	[smem:$0x3FB5] =	sst s0  }
0x18: {  	s0 =	sld [smem:$0x3F98];
	_ =	swait.ge [sflag:s4], $0x0  }
0x19: {  	s7 =	sld [smem:$0x3F99]  }
0x1a: {  	s8 =	sadd.s32 $0xFFFFE003, lr  }
0x1b: {  	s9 =	sadd.s32 $0xFFFFFEF7, lr;
	s5 =	simm.s32 $0xFFFFFFFF;
	p2 =	slt.u32 s8, $0xFFFFF086  }
0x1c: {  	p1 =	slt.u32 s9, $0xF7A;
	s5 =	simm.s32 @!p2 $0x0  }
0x1d: {  	s5 =	simm.s32 @p1 $0x1;
	p0 =	seq.s32 s7, s2  }
0x1e: {  	s7 =	smul.u32 @!p0 $0xF7A, s2;
	p2 =	seq.s32 @!p0 s5, $0x0  }
0x1f: {  	s9 =	smul.u32 $0xF7A, s1;
	s8 =	simm.s32 @!p0 $0x1BF5;
	p2 =	por !p2, p0  }
0x20: {  	[sflag:s8] =	ssyncset.s32 @!p0 $0xFFFFF086;
	s6 =	sadd.s32 @!p0 s3, s7;
	s7 =	simm.s32 @!p0 $0x108  }
0x21: {  	s3 =	sadd.s32 s3, s9;
	s6 =	sadd.s32 @!p0 $0x88, s6;
	s7 =	simm.s32 @p2 $0x1082  }
0x22: {  	[simem:s7], [sflag:s8] =	dma.local @!p0 [hbm:s6], $0xF7A  }
0x23: {  	s9 =	sor.u32 $0xD0000000, s2;
	s6 =	simm.s32 $0x108;
	_ =	swait.ge @!p0 [sflag:s8], $0x0  }
0x24: {  	s3 =	sadd.s32 $0x88, s3;
	s6 =	simm.s32 @!p1 $0x1082;
	[sflag:s4] =	ssyncset.s32 $0xFFFFF086  }
0x25: {  	[simem:s6], [sflag:s4] =	dma.local [hbm:s3], $0xF7A  }
0x26: {  	[smem:$0x3F99] =	sst s1;
	(tag) =	ssettag s2;
	_ =	strace s9  }
0x27: {  	s1 =	sld [smem:$0x3FA9]  }
0x28: {  	s2 =	sld [smem:$0x3FAA]  }
0x29: {  	s4 =	sld [smem:$0x3FAC]  }
0x2a: {  	p0 =	seq.s32 s5, $0x0;
	s5 =	sld [smem:$0x3FAD]  }
0x2b: {  	s6 =	sld [smem:$0x3FAE]  }
0x2c: {  	s7 =	sld [smem:$0x3FAF]  }
0x2d: {  	s3 =	simm.s32 $0x108;
	s8 =	sld [smem:$0x3FB0]  }
0x2e: {  	s3 =	simm.s32 @!p0 $0x1082;
	s9 =	sld [smem:$0x3FB1]  }
0x2f: {  	lr =	sadd.s32 s0, s3;
	s0 =	sld [smem:$0x3FA8]  }
0x30: {  	s3 =	sld [smem:$0x3FAB]  }
0x31: {  	[smem:$0x3FB4] =	sst s10  }
0x32: {  	s10 =	sld [smem:$0x3FB2];
	_ =	sdelay $0x3  }
0x33: {  	p0 =	seq.s32 s10, $0x1;
	s10 =	sld [smem:$0x3FB4];
	_ =	sdelay $0x3  }
0x34: {  	[smem:$0x3FB4] =	sst s10  }
0x35: {  	s10 =	sld [smem:$0x3FB3];
	_ =	sdelay $0x3  }
0x36: {  	p1 =	seq.s32 s10, $0x1;
	s10 =	sld [smem:$0x3FB4];
	_ =	sdelay $0x3  }
0x37: {  	[smem:$0x3FB4] =	sst s10  }
0x38: {  	s10 =	sld [smem:$0x3FB5]  }
0x39: {  	_ = 	snop;
	(pc) =	sbr.ind lr, $3  }
0x3a: {  	_ = 	snop  }
0x3b: {  	_ = 	snop  }
0x3c: {  	p2 =	seq.s32 s10, $0x1;
	s10 =	sld [smem:$0x3FB4]  }
0x3d: {  	_ =	shalt  }
0x3e: {  	_ =	shalt  }
0x3f: {  	_ =	shalt  }
0x40: {  	_ =	shalt  }
0x41: {  	_ =	shalt  }
0x42: {  	_ =	shalt  }
0x43: {  	_ =	shalt  }
0x44: {  	_ =	shalt  }
0x45: {  	_ =	shalt  }
0x46: {  	_ =	shalt  }
0x47: {  	_ =	shalt  }
0x48: {  	_ =	shalt  }
0x49: {  	_ =	shalt  }
0x4a: {  	_ =	shalt  }
0x4b: {  	_ =	shalt  }
0x4c: {  	_ =	shalt  }
0x4d: {  	_ =	shalt  }
0x4e: {  	_ =	shalt  }
0x4f: {  	_ =	shalt  }
0x50: {  	_ =	shalt  }
0x51: {  	_ =	shalt  }
0x52: {  	_ =	shalt  }
0x53: {  	_ =	shalt  }
0x54: {  	_ =	shalt  }
0x55: {  	_ =	shalt  }
0x56: {  	_ =	shalt  }
0x57: {  	_ =	shalt  }
0x58: {  	_ =	shalt  }
0x59: {  	_ =	shalt  }
0x5a: {  	_ =	shalt  }
0x5b: {  	_ =	shalt  }
0x5c: {  	_ =	shalt  }
0x5d: {  	_ =	shalt  }
0x5e: {  	_ =	shalt  }
0x5f: {  	_ =	shalt  }
0x60: {  	_ =	shalt  }
0x61: {  	_ =	shalt  }
0x62: {  	_ =	shalt  }
0x63: {  	_ =	shalt  }
0x64: {  	_ =	shalt  }
0x65: {  	_ =	shalt  }
0x66: {  	_ =	shalt  }
0x67: {  	_ =	shalt  }
0x68: {  	_ =	shalt  }
0x69: {  	_ =	shalt  }
0x6a: {  	_ =	shalt  }
0x6b: {  	_ =	shalt  }
0x6c: {  	_ =	shalt  }
0x6d: {  	_ =	shalt  }
0x6e: {  	_ =	shalt  }
0x6f: {  	_ =	shalt  }
0x70: {  	_ =	shalt  }
0x71: {  	_ =	shalt  }
0x72: {  	_ =	shalt  }
0x73: {  	_ =	shalt  }
0x74: {  	_ =	shalt  }
0x75: {  	_ =	shalt  }
0x76: {  	_ =	shalt  }
0x77: {  	_ =	shalt  }
0x78: {  	_ =	shalt  }
0x79: {  	_ =	shalt  }
0x7a: {  	_ =	shalt  }
0x7b: {  	_ =	shalt  }
0x7c: {  	_ =	shalt  }
0x7d: {  	_ =	shalt  }
0x7e: {  	_ =	shalt  }
0x7f: {  	_ =	shalt  }
0x80: {  	_ =	shalt  }
0x81: {  	_ =	shalt  }
0x82: {  	_ =	shalt  }
0x83: {  	_ =	shalt  }
0x84: {  	_ =	shalt  }
0x85: {  	_ =	shalt  }
0x86: {  	_ =	shalt  }
0x87: {  	_ =	shalt  }
.Lfunc_end0:
.L_simem_size_0:
called_computation.1_lowered:
.L_overlay_start_0:
0x88: {  	s2 =	sld [smem:$0x3FD9]  }
0x89: {  	s3 =	sld [smem:$0x3FFE];
	_ =	sdelay $0x1  }
0x8a: {  	s1 =	srdreg.scid  }
0x8b: {  	s0 =	sand.u32 $0x1, s1  }
0x8c: {  	s17 =	sshll.u32 s0, $0xA;
	s2 =	sadd.s32 s3, s2  }
0x8d: {  	s2 =	sadd.s32 s2, s17  }
0x8e: {  	[smem:$0x3FC0] =	sst s2  }
0x8f: {  	_ = 	snop  }
0x90: {  	s2 =	sld [smem:$0x3FD0];
	(tm) =	ssettm $0x1  }
0x91: {  	s18 =	sld [smem:$0x3FFB];
	_ =	sdelay $0x3  }
0x92: {  	_ =	strace s18  }
0x93: {  	s3 =	sld [smem:$0x3FFC];
	_ =	sdelay $0x3  }
0x94: {  	_ =	strace s3  }
0x95: {  	s3 =	sld [smem:$0x3FFD];
	_ =	sdelay $0x3  }
0x96: {  	_ =	strace s3  }
0x97: {  	_ =	strace $0x8FFFFFFF  }
0x98: {  	s19 =	sld [smem:$0x3FDB];
	_ =	sdelay $0x1  }
0x99: {  	s4 =	simm.s32 $_scs_section_size  }
0x9a: {  	s5 =	simm.s32 $_size__tile_overlayer_lowered;
	s6 =	simm.s32 $_tile_overlayer_lowered  }
0x9b: {  	s22 =	simm.s32 $0x1BFF;
	s21 =	sshll.u32 s6, $0x1;
	s3 =	sadd.s32 s4, s19  }
0x9c: {  	s7 =	simm.s32 $0x0;
	s20 =	sshll.u32 s5, $0x1;
	s5 =	sadd.s32 s21, s3  }
0x9d: {  	[timem:s7], [sflag:s22] =	dma.local [hbm:s5], s20  }
0x9e: {  	_ =	swait.ge [sflag:s22], s20  }
0x9f: {  	s4 =	ssub.s32 $0x0, s20;
	[sflag:s22] =	ssyncset.done $0x0  }
0xa0: {  	[sflag:s22] =	ssyncadd.s32 s4;
	_ =	sdelay $0x1  }
0xa1: {  	s23 =	simm.s32 $0x1B8B  }
0xa2: {  	_ =	swait.ge [sflag:s23], $0x1  }
0xa3: {  	[sflag:s23] =	ssyncset.done $0x0  }
0xa4: {  	s25 =	simm.s32 $0x1B8E;
	s24 =	sld [smem:$0x3FFE];
	[sflag:s23] =	ssyncadd.s32 $0xFFFFFFFF  }
0xa5: {  	s26 =	simm.s32 $execute0_lowered;
	[smem:$0x3FD2] =	sst s25  }
0xa6: {  	s5 =	sshll.u32 s26, $0x1;
	_ =	strace $0x80000049;
	[dreg:$0x1] =	wrdreg $0xFFFFFFFF  }
0xa7: {  	s28 =	simm.s32 $_size_execute0_lowered;
	s3 =	sadd.s32 s3, s5;
	[dreg:$0x0] =	wrdreg $0x0  }
0xa8: {  	s5 =	sshll.u32 s28, $0x1;
	[dreg:$0x2] =	wrdreg s3  }
0xa9: {  	[dreg:$0x3] =	wrdreg s5  }
0xaa: {  	[dreg:$0x4] =	wrdreg $0xC0  }
0xab: {  	_ =	task [dreg:s7], $0x5FFFF  }
0xac: {  	[dreg:$0x1] =	wrdreg $0xFFFFFFFF  }
0xad: {  	[dreg:$0x0] =	wrdreg $0x60  }
0xae: {  	[dreg:$0x2] =	wrdreg s24  }
0xaf: {  	[dreg:$0x3] =	wrdreg s2  }
0xb0: {  	[dreg:$0x4] =	wrdreg $0x0  }
0xb1: {  	[dreg:$0x5] =	wrdreg $0x9  }
0xb2: {  	_ =	task.clear_ibuf [dreg:s7], $0x6FFFF;
	_ =	strace $0x90000049  }
0xb3: {  	s29 =	simm.s32 $0x9;
	_ =	strace $0x8000004B  }
0xb4: {  	_ =	swait.ge [sflag:s29], $0x1  }
0xb5: {  	[sflag:s29] =	ssyncadd.s32 $0xFFFFFFFF  }
0xb6: {  	_ =	strace $0x9000004B  }
0xb7: {  	_ =	sfence  }
0xb8: {  	s30 =	sld [smem:$0x0];
	_ =	sdelay $0x2  }
0xb9: {  	s31 =	sshll.u32 s1, $0xD;
	s1 =	sshrl.u32 s1, $0x2  }
0xba: {  	s3 =	sand.u32 $0x4000, s31;
	s1 =	sadd.s32 s1, s30  }
0xbb: {  	s0 =	sor.u32 s3, s0;
	s1 =	sshll.u32 s1, $0x11  }
0xbc: {  	s0 =	sor.u32 s1, s0  }
0xbd: {  	s0 =	sadd.s32 $0x8F2B, s0  }
0xbe: {  	[sflag:s0] =	ssyncadd.remote.s32 $0x1  }
0xbf: {  	_ =	sfence.sel $0xFFFF  }
0xc0: {  	[dreg:$0x0] =	wrdreg $0xFFFFFFFF;
	(pc) =	sbr.abs _section_cstart, $3  }
0xc1: {  	[dreg:$0x1] =	wrdreg $0xFFFFFFFF  }
0xc2: {  	_ =	task.clear_ibuf [dreg:s7], $0x2FFFF;
	_ =	strace $0x9FFFFFFF  }
0xc3: {  	(tm) =	ssettm $0x7FFFFFFF  }
tec
execute0_lowered:
.L_overlay_start_1:
0x0: {  	(tag) =	ssettag $0x1  }
0x1: {  	s0 =	rddreg [dreg:$0x0]  }
0x2: {  	s11 =	rddreg [dreg:$0x1]  }
0x3: {  	s1 =	rddreg [dreg:$0x2]  }
0x4: {  	s3 =	simm.s32 $0x0;
	s2 =	srdreg.scid;
	s22 =	stileid.u32  }
0x5: {  	s15 =	simm.s32 $0x14000;
	s16 =	simm.s32 $0x14100;
	s17 =	simm.s32 $0x14080  }
0x6: {  	s18 =	simm.s32 $0x14180;
	s19 =	simm.s32 $0x1;
	s20 =	simm.s32 $0x80  }
0x7: {  	s21 =	simm.s32 $0x14200;
	s28 =	simm.s32 $0x4;
	s29 =	simm.s32 $0x0  }
0x8: {  	[smem:$0x7FF] =	sst s3;
	s5 =	sand.u32 $0x1, s2;
	s7 =	smul.u32 $0x14000, s22  }
0x9: {  	s4 =	sadd.s32 $0x5FA00, s0;
	s12 =	sadd.s32 $0x55A00, s0;
	s8 =	smul.u32 $0x50000, s22  }
0xa: {  	s13 =	smul.u32 $0x2800, s22;
	s24 =	sadd.s32 $0x2C00, s0;
	s26 =	sshll.u32 s22, $0x6  }
0xb: {  	s22 =	simm.s32 $0x5;
	s6 =	smul.u32 $0x140000, s5;
	_ =	strace $0x8000004A  }
0xc: {  	s23 =	ssub.s32 $0x2, s5;
	s9 =	smul.u32 $0x28000, s5;
	[dreg:$0x4] =	wrdreg s24  }
0xd: {  	s24 =	simm.s32 $0x2;
	s10 =	sshrl.u32 s23, $0x1;
	s25 =	sshrl.u32 s8, $0x2  }
0xe: {  	s6 =	sadd.s32 s7, s6;
	s10 =	ssub.s32 s23, s10;
	s13 =	sadd.s32 s13, s9  }
0xf: {  	s14 =	sadd.s32 s25, s1;
	s23 =	simm.s32 $0x3;
	s25 =	simm.s32 $0x18200  }
0x10: {  	s6 =	sshrl.u32 s6, $0x3;
	s9 =	sor.u32 $0x80, s13;
	s8 =	smax.u32 s10, $0x1  }
0x11: {  	s31 =	sshrl.u32 s13, $0x3;
	s13 =	sshrl.u32 s14, $0x3;
	s14 =	simm.s32 $0x7  }
0x12: {  	s0 =	sadd.s32 s6, s0;
	s6 =	sor.u32 $0x1C07, s26;
	s30 =	sshrl.u32 s9, $0x3  }
0x13: {  	s26 =	simm.s32 $0x6;
	s7 =	sadd.s32 $0x87A00, s0;
	s9 =	sadd.s32 s30, s11  }
0x14: {  	s10 =	sadd.s32 s30, s12;
	s11 =	sadd.s32 s31, s11;
	s12 =	sadd.s32 s31, s12  }
.LBB2_1:
0x15: {  	s0 =	rddreg [dreg:$0x4]  }
0x16: {  	[spmem:s13], [sflag:s6] =	dma.local [hbm:s0], $0x2800  }
0x17: {  	_ =	swait.ge [sflag:s14], $0x2800  }
0x18: {  	[sflag:s14] =	ssyncset.done $0x0  }
0x19: {  	[sflag:s14] =	ssyncadd.s32 $0xFFFFD800  }
0x1a: {  	s2 =	sadd.s32 $0x0, s12;
	[bflag:$0x0] =	sbarrier.arrive $0xFFFF  }
0x1b: {  	[tilespmem:s15], [sflag:$0x1] =	stream.linear.gather [hbm4b:s2+s3], $0x80, $0x38;
	[tilespmem:$0x1C200] =	vst v63  }
0x1c: {  	s5 =	sadd.s32 $0x0, s11  }
0x1d: {  	[tilespmem:s16], [sflag:$0x3] =	stream.linear.gather [hbm4b:s5+s3], $0x80, $0x38;
	[tilespmem:$0x1C200] =	vst v63  }
0x1e: {  	s2 =	sadd.s32 $0x0, s10  }
0x1f: {  	[tilespmem:s17], [sflag:$0x2] =	stream.linear.gather [hbm4b:s2+s3], $0x80, $0x38;
	[tilespmem:$0x1C200] =	vst v63  }
0x20: {  	s5 =	sadd.s32 $0x0, s9  }
0x21: {  	[tilespmem:s18], [sflag:$0x4] =	stream.linear.gather [hbm4b:s5+s3], $0x80, $0x38;
	[tilespmem:$0x1C200] =	vst v63  }
0x22: {  	_ =	swait.ge [sflag:s19], $0x80  }
0x23: {  	[sflag:s19] =	ssyncset.done $0x0  }
0x24: {  	[sflag:s19] =	ssyncadd.s32 $0xFFFFFF80  }
0x25: {  	[tilespmem:s21], [sflag:$0x5] =	stream.indirect.gather [hbm4b:s4+s20], $0x80, s15, s20, $0xb8;
	[tilespmem:$0x1C200] =	vst v63  }
0x26: {  	_ =	swait.ge [sflag:s22], $0x4000  }
0x27: {  	[sflag:s22] =	ssyncset.done $0x0  }
0x28: {  	[sflag:s22] =	ssyncadd.s32 $0xFFFFC000  }
0x29: {  	_ =	swait.ge [sflag:s23], $0x80  }
0x2a: {  	[sflag:s23] =	ssyncset.done $0x0  }
0x2b: {  	[sflag:s23] =	ssyncadd.s32 $0xFFFFFF80  }
0x2c: {  	[spmem:s1] =	stream.indirect.scatter.add.f32 [tilespmem:s21], [sflag:$0x7], $0x80, s16, s20, $0xb8;
	[tilespmem:$0x1C200] =	vst v63  }
0x2d: {  	_ =	swait.ge [sflag:s14], $0x4000  }
0x2e: {  	[sflag:s14] =	ssyncset.done $0x0  }
0x2f: {  	[sflag:s14] =	ssyncadd.s32 $0xFFFFC000  }
0x30: {  	_ =	swait.ge [sflag:s24], $0x80  }
0x31: {  	[sflag:s24] =	ssyncset.done $0x0  }
0x32: {  	[sflag:s24] =	ssyncadd.s32 $0xFFFFFF80  }
0x33: {  	[tilespmem:s25], [sflag:$0x6] =	stream.indirect.gather [hbm4b:s4+s20], $0x80, s17, s20, $0xb8;
	[tilespmem:$0x1C200] =	vst v63  }
0x34: {  	_ =	swait.ge [sflag:s26], $0x4000  }
0x35: {  	[sflag:s26] =	ssyncset.done $0x0  }
0x36: {  	[sflag:s26] =	ssyncadd.s32 $0xFFFFC000  }
0x37: {  	_ =	swait.ge [sflag:s28], $0x80  }
0x38: {  	[sflag:s28] =	ssyncset.done $0x0  }
0x39: {  	[sflag:s28] =	ssyncadd.s32 $0xFFFFFF80  }
0x3a: {  	[spmem:s1] =	stream.indirect.scatter.add.f32 [tilespmem:s25], [sflag:$0x7], $0x80, s18, s20, $0xb8;
	[tilespmem:$0x1C200] =	vst v63  }
0x3b: {  	_ =	swait.ge [sflag:s14], $0x4000  }
0x3c: {  	s30 =	simm.s32 $0x20;
	s31 =	simm.s32 $0x40;
	[sflag:s14] =	ssyncset.done $0x0  }
.LBB2_2:
0x3d: {  	s2 =	sadd.s32 s30, s12  }
0x3e: {  	[sflag:s14] =	ssyncadd.s32 $0xFFFFC000;
	s5 =	smov.u32 s31;
	s0 =	sadd.s32 $0x20, s31  }
0x3f: {  	[tilespmem:s15], [sflag:$0x1] =	stream.linear.gather [hbm4b:s2+s3], $0x80, $0x38;
	[tilespmem:$0x1C200] =	vst v63  }
0x40: {  	p0 =	sne.s32 s31, $0x4E0;
	s2 =	sadd.s32 s30, s11  }
0x41: {  	[tilespmem:s16], [sflag:$0x3] =	stream.linear.gather [hbm4b:s2+s3], $0x80, $0x38;
	[tilespmem:$0x1C200] =	vst v63  }
0x42: {  	s2 =	sadd.s32 s30, s10  }
0x43: {  	[tilespmem:s17], [sflag:$0x2] =	stream.linear.gather [hbm4b:s2+s3], $0x80, $0x38;
	[tilespmem:$0x1C200] =	vst v63  }
0x44: {  	s2 =	sadd.s32 s30, s9;
	s30 =	smov.u32 s5  }
0x45: {  	[tilespmem:s18], [sflag:$0x4] =	stream.linear.gather [hbm4b:s2+s3], $0x80, $0x38;
	[tilespmem:$0x1C200] =	vst v63  }
0x46: {  	_ =	swait.ge [sflag:s19], $0x80  }
0x47: {  	[sflag:s19] =	ssyncset.done $0x0  }
0x48: {  	[sflag:s19] =	ssyncadd.s32 $0xFFFFFF80  }
0x49: {  	[tilespmem:s21], [sflag:$0x5] =	stream.indirect.gather [hbm4b:s4+s20], $0x80, s15, s20, $0xb8;
	[tilespmem:$0x1C200] =	vst v63  }
0x4a: {  	_ =	swait.ge [sflag:s22], $0x4000  }
0x4b: {  	[sflag:s22] =	ssyncset.done $0x0  }
0x4c: {  	[sflag:s22] =	ssyncadd.s32 $0xFFFFC000  }
0x4d: {  	_ =	swait.ge [sflag:s23], $0x80  }
0x4e: {  	[sflag:s23] =	ssyncset.done $0x0  }
0x4f: {  	[sflag:s23] =	ssyncadd.s32 $0xFFFFFF80  }
0x50: {  	[spmem:s1] =	stream.indirect.scatter.add.f32 [tilespmem:s21], [sflag:$0x7], $0x80, s16, s20, $0xb8;
	[tilespmem:$0x1C200] =	vst v63  }
0x51: {  	_ =	swait.ge [sflag:s14], $0x4000  }
0x52: {  	[sflag:s14] =	ssyncset.done $0x0  }
0x53: {  	[sflag:s14] =	ssyncadd.s32 $0xFFFFC000  }
0x54: {  	_ =	swait.ge [sflag:s24], $0x80  }
0x55: {  	[sflag:s24] =	ssyncset.done $0x0  }
0x56: {  	[sflag:s24] =	ssyncadd.s32 $0xFFFFFF80  }
0x57: {  	[tilespmem:s25], [sflag:$0x6] =	stream.indirect.gather [hbm4b:s4+s20], $0x80, s17, s20, $0xb8;
	[tilespmem:$0x1C200] =	vst v63  }
0x58: {  	_ =	swait.ge [sflag:s26], $0x4000  }
0x59: {  	[sflag:s26] =	ssyncset.done $0x0  }
0x5a: {  	[sflag:s26] =	ssyncadd.s32 $0xFFFFC000  }
0x5b: {  	_ =	swait.ge [sflag:s28], $0x80  }
.Ltmp0:
0x5c: {  	[sflag:s28] =	ssyncset.done $0x0;
	(pc) =	sbr.rel @p0 .LBB2_2-.Ltmp0, $4  }
0x5d: {  	[sflag:s28] =	ssyncadd.s32 $0xFFFFFF80  }
0x5e: {  	[spmem:s1] =	stream.indirect.scatter.add.f32 [tilespmem:s25], [sflag:$0x7], $0x80, s18, s20, $0xb8;
	[tilespmem:$0x1C200] =	vst v63  }
0x5f: {  	_ =	swait.ge [sflag:s14], $0x4000  }
0x60: {  	s31 =	smov.u32 s0;
	[sflag:s14] =	ssyncset.done $0x0  }
0x61: {  	s0 =	sadd.s32 s30, s12;
	[sflag:s14] =	ssyncadd.s32 $0xFFFFC000  }
0x62: {  	[tilespmem:s15], [sflag:$0x1] =	stream.linear.gather [hbm4b:s0+s3], $0x80, $0x38;
	[tilespmem:$0x1C200] =	vst v63  }
0x63: {  	s2 =	sadd.s32 s30, s11  }
0x64: {  	[tilespmem:s16], [sflag:$0x3] =	stream.linear.gather [hbm4b:s2+s3], $0x80, $0x38;
	[tilespmem:$0x1C200] =	vst v63  }
0x65: {  	s5 =	sadd.s32 s30, s10  }
0x66: {  	[tilespmem:s17], [sflag:$0x2] =	stream.linear.gather [hbm4b:s5+s3], $0x80, $0x38;
	[tilespmem:$0x1C200] =	vst v63  }
0x67: {  	s31 =	sadd.s32 s30, s9  }
0x68: {  	[tilespmem:s18], [sflag:$0x4] =	stream.linear.gather [hbm4b:s31+s3], $0x80, $0x38;
	[tilespmem:$0x1C200] =	vst v63  }
0x69: {  	_ =	swait.ge [sflag:s19], $0x80  }
0x6a: {  	[sflag:s19] =	ssyncset.done $0x0  }
0x6b: {  	[sflag:s19] =	ssyncadd.s32 $0xFFFFFF80  }
0x6c: {  	[tilespmem:s21], [sflag:$0x5] =	stream.indirect.gather [hbm4b:s4+s20], $0x80, s15, s20, $0xb8;
	[tilespmem:$0x1C200] =	vst v63  }
0x6d: {  	_ =	swait.ge [sflag:s22], $0x4000  }
0x6e: {  	[sflag:s22] =	ssyncset.done $0x0  }
0x6f: {  	[sflag:s22] =	ssyncadd.s32 $0xFFFFC000  }
0x70: {  	_ =	swait.ge [sflag:s23], $0x80  }
0x71: {  	[sflag:s23] =	ssyncset.done $0x0  }
0x72: {  	[sflag:s23] =	ssyncadd.s32 $0xFFFFFF80  }
0x73: {  	[spmem:s1] =	stream.indirect.scatter.add.f32 [tilespmem:s21], [sflag:$0x7], $0x80, s16, s20, $0xb8;
	[tilespmem:$0x1C200] =	vst v63  }
0x74: {  	_ =	swait.ge [sflag:s14], $0x4000  }
0x75: {  	[sflag:s14] =	ssyncset.done $0x0  }
0x76: {  	[sflag:s14] =	ssyncadd.s32 $0xFFFFC000  }
0x77: {  	_ =	swait.ge [sflag:s24], $0x80  }
0x78: {  	[sflag:s24] =	ssyncset.done $0x0  }
0x79: {  	[sflag:s24] =	ssyncadd.s32 $0xFFFFFF80  }
0x7a: {  	[tilespmem:s25], [sflag:$0x6] =	stream.indirect.gather [hbm4b:s4+s20], $0x80, s17, s20, $0xb8;
	[tilespmem:$0x1C200] =	vst v63  }
0x7b: {  	_ =	swait.ge [sflag:s26], $0x4000  }
0x7c: {  	[sflag:s26] =	ssyncset.done $0x0  }
0x7d: {  	[sflag:s26] =	ssyncadd.s32 $0xFFFFC000  }
0x7e: {  	_ =	swait.ge [sflag:s28], $0x80  }
0x7f: {  	[sflag:s28] =	ssyncset.done $0x0  }
0x80: {  	[sflag:s28] =	ssyncadd.s32 $0xFFFFFF80  }
0x81: {  	[spmem:s1] =	stream.indirect.scatter.add.f32 [tilespmem:s25], [sflag:$0x7], $0x80, s18, s20, $0xb8;
	[tilespmem:$0x1C200] =	vst v63  }
0x82: {  	_ =	swait.ge [sflag:s14], $0x4000  }
0x83: {  	s29 =	sadd.s32 $0x1, s29;
	[sflag:s14] =	ssyncset.done $0x0  }
0x84: {  	p0 =	sne.s32 s29, s8;
	[sflag:s14] =	ssyncadd.s32 $0xFFFFC000  }
.Ltmp1:
0x85: {  	[bflag:$0x0] =	sbarrier.arrive $0xFFFF;
	(pc) =	sbr.rel @p0 .LBB2_1-.Ltmp1, $4  }
0x86: {  	[hbm:s7], [sflag:s6] =	dma.local [spmem:s13], $0x2800  }
0x87: {  	_ =	swait.ge [sflag:s14], $0x2800  }
0x88: {  	[sflag:s14] =	ssyncset.done $0x0  }
0x89: {  	[sflag:s14] =	ssyncadd.s32 $0xFFFFD800  }
0x8a: {  	_ =	sfence.sel $0x180000  }
0x8b: {  	[bflag:$0x0] =	sbarrier.arrive $0xFFFF  }
0x8c: {  	_ =	strace $0x9000004A  }
0x8d: {  	s0 =	stileid.u32;
	[bflag:$0x2] =	sbarrier.arrive $0xFFFF  }
0x8e: {  	p0 =	sne.s32 s0, $0x0;
	s0 =	rddreg [dreg:$0x3]  }
0x8f: {  	s0 =	sadd.s32 @!p0 $0x100000, s0  }
0x90: {  	[sflag:s0] =	ssyncadd.tile.s32 @!p0 $0x1;
	_ =	shalt  }
.Lfunc_end2:
_tile_overlayer_lowered:
.L_overlay_start_2:
0x91: {  	(tag) =	ssettag $0x2  }
0x92: {  	s0 =	rddreg [dreg:$0x0];
	s2 =	stileid.u32  }
0x93: {  	s1 =	rddreg [dreg:$0x1];
	p0 =	sne.s32 s2, $0x0  }
0x94: {  	s3 =	rddreg [dreg:$0x2];
	[bflag:$0x3] =	sbarrier.arrive $0xFFFF;
	s2 =	simm.s32 @!p0 $0x1C07  }
0x95: {  	[timem:s3], [sflag:s2] =	dma.local @!p0 [hbm:s0], s1  }
0x96: {  	s0 =	simm.s32 @!p0 $0x7  }
0x97: {  	_ =	swait.ge @!p0 [sflag:s0], s1  }
0x98: {  	s1 =	ssub.s32 @!p0 $0x0, s1;
	[sflag:s0] =	ssyncset.done @!p0 $0x0  }
0x99: {  	[sflag:s0] =	ssyncadd.s32 @!p0 s1  }
0x9a: {  	[bflag:$0x3] =	sbarrier.arrive $0xFFFF  }
0x9b: {  	_ =	shalt  }

// kernel: kernel.14.cloned.1.call-start
scs
__scs_entry_jumppad:
0x0: {  	(pc) =	sbr.rel $0x88, $3  }
0x1: {  	(tag) =	ssettag $0x0;
	lr =	simm.s32 $0x1  }
0x2: {  	[smem:$0x3F99] =	sst lr;
	_ =	strace $0xD0000000  }
0x3: {  	_ = 	snop  }
0x4: {  	_ = 	snop  }
0x5: {  	_ = 	snop  }
0x6: {  	_ = 	snop  }
0x7: {  	_ = 	snop  }
__scs_overlays_trampoline_lowered:
0x8: {  	[smem:$0x3FA8] =	sst s0  }
0x9: {  	[smem:$0x3FA9] =	sst s1  }
0xa: {  	[smem:$0x3FAA] =	sst s2  }
0xb: {  	[smem:$0x3FAB] =	sst s3  }
0xc: {  	[smem:$0x3FAC] =	sst s4  }
0xd: {  	[smem:$0x3FAD] =	sst s5  }
0xe: {  	[smem:$0x3FAE] =	sst s6  }
0xf: {  	[smem:$0x3FAF] =	sst s7  }
0x10: {  	[smem:$0x3FB0] =	sst s8  }
0x11: {  	[smem:$0x3FB1] =	sst s9;
	s0 =	simm.s32 @!p0 $0x0  }
0x12: {  	s1 =	sld [smem:$0x3F97];
	s0 =	simm.s32 @p0 $0x1  }
0x13: {  	[smem:$0x3FB2] =	sst s0;
	s0 =	simm.s32 @!p1 $0x0  }
0x14: {  	s2 =	sld [smem:$0x3F96];
	s0 =	simm.s32 @p1 $0x1  }
0x15: {  	[smem:$0x3FB3] =	sst s0;
	s0 =	simm.s32 @!p2 $0x0  }
0x16: {  	s3 =	sld [smem:$0x3FDB];
	s0 =	simm.s32 @p2 $0x1  }
0x17: {  	s4 =	simm.s32 $0x1BF5;
	[smem:$0x3FB5] =	sst s0  }
0x18: {  	s0 =	sld [smem:$0x3F98];
	_ =	swait.ge [sflag:s4], $0x0  }
0x19: {  	s7 =	sld [smem:$0x3F99]  }
0x1a: {  	s8 =	sadd.s32 $0xFFFFE003, lr  }
0x1b: {  	s9 =	sadd.s32 $0xFFFFFEF7, lr;
	s5 =	simm.s32 $0xFFFFFFFF;
	p2 =	slt.u32 s8, $0xFFFFF086  }
0x1c: {  	p1 =	slt.u32 s9, $0xF7A;
	s5 =	simm.s32 @!p2 $0x0  }
0x1d: {  	s5 =	simm.s32 @p1 $0x1;
	p0 =	seq.s32 s7, s2  }
0x1e: {  	s7 =	smul.u32 @!p0 $0xF7A, s2;
	p2 =	seq.s32 @!p0 s5, $0x0  }
0x1f: {  	s9 =	smul.u32 $0xF7A, s1;
	s8 =	simm.s32 @!p0 $0x1BF5;
	p2 =	por !p2, p0  }
0x20: {  	[sflag:s8] =	ssyncset.s32 @!p0 $0xFFFFF086;
	s6 =	sadd.s32 @!p0 s3, s7;
	s7 =	simm.s32 @!p0 $0x108  }
0x21: {  	s3 =	sadd.s32 s3, s9;
	s6 =	sadd.s32 @!p0 $0x88, s6;
	s7 =	simm.s32 @p2 $0x1082  }
0x22: {  	[simem:s7], [sflag:s8] =	dma.local @!p0 [hbm:s6], $0xF7A  }
0x23: {  	s9 =	sor.u32 $0xD0000000, s2;
	s6 =	simm.s32 $0x108;
	_ =	swait.ge @!p0 [sflag:s8], $0x0  }
0x24: {  	s3 =	sadd.s32 $0x88, s3;
	s6 =	simm.s32 @!p1 $0x1082;
	[sflag:s4] =	ssyncset.s32 $0xFFFFF086  }
0x25: {  	[simem:s6], [sflag:s4] =	dma.local [hbm:s3], $0xF7A  }
0x26: {  	[smem:$0x3F99] =	sst s1;
	(tag) =	ssettag s2;
	_ =	strace s9  }
0x27: {  	s1 =	sld [smem:$0x3FA9]  }
0x28: {  	s2 =	sld [smem:$0x3FAA]  }
0x29: {  	s4 =	sld [smem:$0x3FAC]  }
0x2a: {  	p0 =	seq.s32 s5, $0x0;
	s5 =	sld [smem:$0x3FAD]  }
0x2b: {  	s6 =	sld [smem:$0x3FAE]  }
0x2c: {  	s7 =	sld [smem:$0x3FAF]  }
0x2d: {  	s3 =	simm.s32 $0x108;
	s8 =	sld [smem:$0x3FB0]  }
0x2e: {  	s3 =	simm.s32 @!p0 $0x1082;
	s9 =	sld [smem:$0x3FB1]  }
0x2f: {  	lr =	sadd.s32 s0, s3;
	s0 =	sld [smem:$0x3FA8]  }
0x30: {  	s3 =	sld [smem:$0x3FAB]  }
0x31: {  	[smem:$0x3FB4] =	sst s10  }
0x32: {  	s10 =	sld [smem:$0x3FB2];
	_ =	sdelay $0x3  }
0x33: {  	p0 =	seq.s32 s10, $0x1;
	s10 =	sld [smem:$0x3FB4];
	_ =	sdelay $0x3  }
0x34: {  	[smem:$0x3FB4] =	sst s10  }
0x35: {  	s10 =	sld [smem:$0x3FB3];
	_ =	sdelay $0x3  }
0x36: {  	p1 =	seq.s32 s10, $0x1;
	s10 =	sld [smem:$0x3FB4];
	_ =	sdelay $0x3  }
0x37: {  	[smem:$0x3FB4] =	sst s10  }
0x38: {  	s10 =	sld [smem:$0x3FB5]  }
0x39: {  	_ = 	snop;
	(pc) =	sbr.ind lr, $3  }
0x3a: {  	_ = 	snop  }
0x3b: {  	_ = 	snop  }
0x3c: {  	p2 =	seq.s32 s10, $0x1;
	s10 =	sld [smem:$0x3FB4]  }
0x3d: {  	_ =	shalt  }
0x3e: {  	_ =	shalt  }
0x3f: {  	_ =	shalt  }
0x40: {  	_ =	shalt  }
0x41: {  	_ =	shalt  }
0x42: {  	_ =	shalt  }
0x43: {  	_ =	shalt  }
0x44: {  	_ =	shalt  }
0x45: {  	_ =	shalt  }
0x46: {  	_ =	shalt  }
0x47: {  	_ =	shalt  }
0x48: {  	_ =	shalt  }
0x49: {  	_ =	shalt  }
0x4a: {  	_ =	shalt  }
0x4b: {  	_ =	shalt  }
0x4c: {  	_ =	shalt  }
0x4d: {  	_ =	shalt  }
0x4e: {  	_ =	shalt  }
0x4f: {  	_ =	shalt  }
0x50: {  	_ =	shalt  }
0x51: {  	_ =	shalt  }
0x52: {  	_ =	shalt  }
0x53: {  	_ =	shalt  }
0x54: {  	_ =	shalt  }
0x55: {  	_ =	shalt  }
0x56: {  	_ =	shalt  }
0x57: {  	_ =	shalt  }
0x58: {  	_ =	shalt  }
0x59: {  	_ =	shalt  }
0x5a: {  	_ =	shalt  }
0x5b: {  	_ =	shalt  }
0x5c: {  	_ =	shalt  }
0x5d: {  	_ =	shalt  }
0x5e: {  	_ =	shalt  }
0x5f: {  	_ =	shalt  }
0x60: {  	_ =	shalt  }
0x61: {  	_ =	shalt  }
0x62: {  	_ =	shalt  }
0x63: {  	_ =	shalt  }
0x64: {  	_ =	shalt  }
0x65: {  	_ =	shalt  }
0x66: {  	_ =	shalt  }
0x67: {  	_ =	shalt  }
0x68: {  	_ =	shalt  }
0x69: {  	_ =	shalt  }
0x6a: {  	_ =	shalt  }
0x6b: {  	_ =	shalt  }
0x6c: {  	_ =	shalt  }
0x6d: {  	_ =	shalt  }
0x6e: {  	_ =	shalt  }
0x6f: {  	_ =	shalt  }
0x70: {  	_ =	shalt  }
0x71: {  	_ =	shalt  }
0x72: {  	_ =	shalt  }
0x73: {  	_ =	shalt  }
0x74: {  	_ =	shalt  }
0x75: {  	_ =	shalt  }
0x76: {  	_ =	shalt  }
0x77: {  	_ =	shalt  }
0x78: {  	_ =	shalt  }
0x79: {  	_ =	shalt  }
0x7a: {  	_ =	shalt  }
0x7b: {  	_ =	shalt  }
0x7c: {  	_ =	shalt  }
0x7d: {  	_ =	shalt  }
0x7e: {  	_ =	shalt  }
0x7f: {  	_ =	shalt  }
0x80: {  	_ =	shalt  }
0x81: {  	_ =	shalt  }
0x82: {  	_ =	shalt  }
0x83: {  	_ =	shalt  }
0x84: {  	_ =	shalt  }
0x85: {  	_ =	shalt  }
0x86: {  	_ =	shalt  }
0x87: {  	_ =	shalt  }
.Lfunc_end0:
.L_simem_size_0:
called_computation.2_lowered:
.L_overlay_start_0:
0x88: {  	s2 =	sld [smem:$0x3FD9]  }
0x89: {  	s3 =	sld [smem:$0x3FFE];
	_ =	sdelay $0x1  }
0x8a: {  	s1 =	srdreg.scid  }
0x8b: {  	s0 =	sand.u32 $0x1, s1  }
0x8c: {  	s17 =	sshll.u32 s0, $0xA;
	s2 =	sadd.s32 s3, s2  }
0x8d: {  	s2 =	sadd.s32 s2, s17  }
0x8e: {  	[smem:$0x3FC0] =	sst s2  }
0x8f: {  	_ = 	snop  }
0x90: {  	s2 =	sld [smem:$0x3FD0];
	(tm) =	ssettm $0x1  }
0x91: {  	s18 =	sld [smem:$0x3FFB];
	_ =	sdelay $0x3  }
0x92: {  	_ =	strace s18  }
0x93: {  	s3 =	sld [smem:$0x3FFC];
	_ =	sdelay $0x3  }
0x94: {  	_ =	strace s3  }
0x95: {  	s3 =	sld [smem:$0x3FFD];
	_ =	sdelay $0x3  }
0x96: {  	_ =	strace s3  }
0x97: {  	_ =	strace $0x8FFFFFFF  }
0x98: {  	s19 =	sld [smem:$0x3FDB];
	_ =	sdelay $0x1  }
0x99: {  	s4 =	simm.s32 $_scs_section_size  }
0x9a: {  	s5 =	simm.s32 $_size__tile_overlayer_lowered;
	s6 =	simm.s32 $_tile_overlayer_lowered  }
0x9b: {  	s22 =	simm.s32 $0x1BFF;
	s21 =	sshll.u32 s6, $0x1;
	s3 =	sadd.s32 s4, s19  }
0x9c: {  	s7 =	simm.s32 $0x0;
	s20 =	sshll.u32 s5, $0x1;
	s5 =	sadd.s32 s21, s3  }
0x9d: {  	[timem:s7], [sflag:s22] =	dma.local [hbm:s5], s20  }
0x9e: {  	_ =	swait.ge [sflag:s22], s20  }
0x9f: {  	s4 =	ssub.s32 $0x0, s20;
	[sflag:s22] =	ssyncset.done $0x0  }
0xa0: {  	[sflag:s22] =	ssyncadd.s32 s4;
	_ =	sdelay $0x1  }
0xa1: {  	s23 =	simm.s32 $0x1B8B  }
0xa2: {  	_ =	swait.ge [sflag:s23], $0x1  }
0xa3: {  	[sflag:s23] =	ssyncset.done $0x0  }
0xa4: {  	s25 =	simm.s32 $0x1B8E;
	s24 =	sld [smem:$0x3FFE];
	[sflag:s23] =	ssyncadd.s32 $0xFFFFFFFF  }
0xa5: {  	s26 =	simm.s32 $execute0_lowered;
	[smem:$0x3FD2] =	sst s25  }
0xa6: {  	s5 =	sshll.u32 s26, $0x1;
	_ =	strace $0x8000004C;
	[dreg:$0x1] =	wrdreg $0xFFFFFFFF  }
0xa7: {  	s28 =	simm.s32 $_size_execute0_lowered;
	s3 =	sadd.s32 s3, s5;
	[dreg:$0x0] =	wrdreg $0x0  }
0xa8: {  	s5 =	sshll.u32 s28, $0x1;
	[dreg:$0x2] =	wrdreg s3  }
0xa9: {  	[dreg:$0x3] =	wrdreg s5  }
0xaa: {  	[dreg:$0x4] =	wrdreg $0xC0  }
0xab: {  	_ =	task [dreg:s7], $0x5FFFF  }
0xac: {  	[dreg:$0x1] =	wrdreg $0xFFFFFFFF  }
0xad: {  	[dreg:$0x0] =	wrdreg $0x60  }
0xae: {  	[dreg:$0x2] =	wrdreg s24  }
0xaf: {  	[dreg:$0x3] =	wrdreg s2  }
0xb0: {  	[dreg:$0x4] =	wrdreg $0x0  }
0xb1: {  	[dreg:$0x5] =	wrdreg $0x9  }
0xb2: {  	_ =	task.clear_ibuf [dreg:s7], $0x6FFFF;
	_ =	strace $0x9000004C  }
0xb3: {  	s29 =	simm.s32 $0x9;
	_ =	strace $0x8000004E  }
0xb4: {  	_ =	swait.ge [sflag:s29], $0x1  }
0xb5: {  	[sflag:s29] =	ssyncadd.s32 $0xFFFFFFFF  }
0xb6: {  	_ =	strace $0x9000004E  }
0xb7: {  	_ =	sfence  }
0xb8: {  	s30 =	sld [smem:$0x0];
	_ =	sdelay $0x2  }
0xb9: {  	s31 =	sshll.u32 s1, $0xD;
	s1 =	sshrl.u32 s1, $0x2  }
0xba: {  	s3 =	sand.u32 $0x4000, s31;
	s1 =	sadd.s32 s1, s30  }
0xbb: {  	s0 =	sor.u32 s3, s0;
	s1 =	sshll.u32 s1, $0x11  }
0xbc: {  	s0 =	sor.u32 s1, s0  }
0xbd: {  	s0 =	sadd.s32 $0x8F2B, s0  }
0xbe: {  	[sflag:s0] =	ssyncadd.remote.s32 $0x1  }
0xbf: {  	_ =	sfence.sel $0xFFFF  }
0xc0: {  	[dreg:$0x0] =	wrdreg $0xFFFFFFFF;
	(pc) =	sbr.abs _section_cstart, $3  }
0xc1: {  	[dreg:$0x1] =	wrdreg $0xFFFFFFFF  }
0xc2: {  	_ =	task.clear_ibuf [dreg:s7], $0x2FFFF;
	_ =	strace $0x9FFFFFFF  }
0xc3: {  	(tm) =	ssettm $0x7FFFFFFF  }
tec
execute0_lowered:
.L_overlay_start_1:
0x0: {  	(tag) =	ssettag $0x1  }
0x1: {  	s0 =	rddreg [dreg:$0x0]  }
0x2: {  	s11 =	rddreg [dreg:$0x1]  }
0x3: {  	s1 =	rddreg [dreg:$0x2]  }
0x4: {  	s3 =	simm.s32 $0x0;
	s2 =	srdreg.scid;
	s22 =	stileid.u32  }
0x5: {  	s15 =	simm.s32 $0x14000;
	s16 =	simm.s32 $0x14100;
	s17 =	simm.s32 $0x14080  }
0x6: {  	s18 =	simm.s32 $0x14180;
	s19 =	simm.s32 $0x1;
	s20 =	simm.s32 $0x80  }
0x7: {  	s21 =	simm.s32 $0x14200;
	s28 =	simm.s32 $0x4;
	s29 =	simm.s32 $0x0  }
0x8: {  	[smem:$0x7FF] =	sst s3;
	s5 =	sand.u32 $0x1, s2;
	s7 =	smul.u32 $0x14000, s22  }
0x9: {  	s4 =	sadd.s32 $0x5FA00, s0;
	s12 =	sadd.s32 $0x55A00, s0;
	s8 =	smul.u32 $0x50000, s22  }
0xa: {  	s13 =	smul.u32 $0x2800, s22;
	s24 =	sadd.s32 $0x2C00, s0;
	s26 =	sshll.u32 s22, $0x6  }
0xb: {  	s22 =	simm.s32 $0x5;
	s6 =	smul.u32 $0x140000, s5;
	_ =	strace $0x8000004D  }
0xc: {  	s23 =	ssub.s32 $0x2, s5;
	s9 =	smul.u32 $0x28000, s5;
	[dreg:$0x4] =	wrdreg s24  }
0xd: {  	s24 =	simm.s32 $0x2;
	s10 =	sshrl.u32 s23, $0x1;
	s25 =	sshrl.u32 s8, $0x2  }
0xe: {  	s6 =	sadd.s32 s7, s6;
	s10 =	ssub.s32 s23, s10;
	s13 =	sadd.s32 s13, s9  }
0xf: {  	s14 =	sadd.s32 s25, s1;
	s23 =	simm.s32 $0x3;
	s25 =	simm.s32 $0x18200  }
0x10: {  	s6 =	sshrl.u32 s6, $0x3;
	s9 =	sor.u32 $0x80, s13;
	s8 =	smax.u32 s10, $0x1  }
0x11: {  	s31 =	sshrl.u32 s13, $0x3;
	s13 =	sshrl.u32 s14, $0x3;
	s14 =	simm.s32 $0x7  }
0x12: {  	s0 =	sadd.s32 s6, s0;
	s6 =	sor.u32 $0x1C07, s26;
	s30 =	sshrl.u32 s9, $0x3  }
0x13: {  	s26 =	simm.s32 $0x6;
	s7 =	sadd.s32 $0x87A00, s0;
	s9 =	sadd.s32 s30, s11  }
0x14: {  	s10 =	sadd.s32 s30, s12;
	s11 =	sadd.s32 s31, s11;
	s12 =	sadd.s32 s31, s12  }
.LBB2_1:
0x15: {  	s0 =	rddreg [dreg:$0x4]  }
0x16: {  	[spmem:s13], [sflag:s6] =	dma.local [hbm:s0], $0x2800  }
0x17: {  	_ =	swait.ge [sflag:s14], $0x2800  }
0x18: {  	[sflag:s14] =	ssyncset.done $0x0  }
0x19: {  	[sflag:s14] =	ssyncadd.s32 $0xFFFFD800  }
0x1a: {  	s2 =	sadd.s32 $0x0, s12;
	[bflag:$0x0] =	sbarrier.arrive $0xFFFF  }
0x1b: {  	[tilespmem:s15], [sflag:$0x1] =	stream.linear.gather [hbm4b:s2+s3], $0x80, $0x38;
	[tilespmem:$0x1C200] =	vst v63  }
0x1c: {  	s5 =	sadd.s32 $0x0, s11  }
0x1d: {  	[tilespmem:s16], [sflag:$0x3] =	stream.linear.gather [hbm4b:s5+s3], $0x80, $0x38;
	[tilespmem:$0x1C200] =	vst v63  }
0x1e: {  	s2 =	sadd.s32 $0x0, s10  }
0x1f: {  	[tilespmem:s17], [sflag:$0x2] =	stream.linear.gather [hbm4b:s2+s3], $0x80, $0x38;
	[tilespmem:$0x1C200] =	vst v63  }
0x20: {  	s5 =	sadd.s32 $0x0, s9  }
0x21: {  	[tilespmem:s18], [sflag:$0x4] =	stream.linear.gather [hbm4b:s5+s3], $0x80, $0x38;
	[tilespmem:$0x1C200] =	vst v63  }
0x22: {  	_ =	swait.ge [sflag:s19], $0x80  }
0x23: {  	[sflag:s19] =	ssyncset.done $0x0  }
0x24: {  	[sflag:s19] =	ssyncadd.s32 $0xFFFFFF80  }
0x25: {  	[tilespmem:s21], [sflag:$0x5] =	stream.indirect.gather [hbm4b:s4+s20], $0x80, s15, s20, $0xb8;
	[tilespmem:$0x1C200] =	vst v63  }
0x26: {  	_ =	swait.ge [sflag:s22], $0x4000  }
0x27: {  	[sflag:s22] =	ssyncset.done $0x0  }
0x28: {  	[sflag:s22] =	ssyncadd.s32 $0xFFFFC000  }
0x29: {  	_ =	swait.ge [sflag:s23], $0x80  }
0x2a: {  	[sflag:s23] =	ssyncset.done $0x0  }
0x2b: {  	[sflag:s23] =	ssyncadd.s32 $0xFFFFFF80  }
0x2c: {  	[spmem:s1] =	stream.indirect.scatter.add.f32 [tilespmem:s21], [sflag:$0x7], $0x80, s16, s20, $0xb8;
	[tilespmem:$0x1C200] =	vst v63  }
0x2d: {  	_ =	swait.ge [sflag:s14], $0x4000  }
0x2e: {  	[sflag:s14] =	ssyncset.done $0x0  }
0x2f: {  	[sflag:s14] =	ssyncadd.s32 $0xFFFFC000  }
0x30: {  	_ =	swait.ge [sflag:s24], $0x80  }
0x31: {  	[sflag:s24] =	ssyncset.done $0x0  }
0x32: {  	[sflag:s24] =	ssyncadd.s32 $0xFFFFFF80  }
0x33: {  	[tilespmem:s25], [sflag:$0x6] =	stream.indirect.gather [hbm4b:s4+s20], $0x80, s17, s20, $0xb8;
	[tilespmem:$0x1C200] =	vst v63  }
0x34: {  	_ =	swait.ge [sflag:s26], $0x4000  }
0x35: {  	[sflag:s26] =	ssyncset.done $0x0  }
0x36: {  	[sflag:s26] =	ssyncadd.s32 $0xFFFFC000  }
0x37: {  	_ =	swait.ge [sflag:s28], $0x80  }
0x38: {  	[sflag:s28] =	ssyncset.done $0x0  }
0x39: {  	[sflag:s28] =	ssyncadd.s32 $0xFFFFFF80  }
0x3a: {  	[spmem:s1] =	stream.indirect.scatter.add.f32 [tilespmem:s25], [sflag:$0x7], $0x80, s18, s20, $0xb8;
	[tilespmem:$0x1C200] =	vst v63  }
0x3b: {  	_ =	swait.ge [sflag:s14], $0x4000  }
0x3c: {  	s30 =	simm.s32 $0x20;
	s31 =	simm.s32 $0x40;
	[sflag:s14] =	ssyncset.done $0x0  }
.LBB2_2:
0x3d: {  	s2 =	sadd.s32 s30, s12  }
0x3e: {  	[sflag:s14] =	ssyncadd.s32 $0xFFFFC000;
	s5 =	smov.u32 s31;
	s0 =	sadd.s32 $0x20, s31  }
0x3f: {  	[tilespmem:s15], [sflag:$0x1] =	stream.linear.gather [hbm4b:s2+s3], $0x80, $0x38;
	[tilespmem:$0x1C200] =	vst v63  }
0x40: {  	p0 =	sne.s32 s31, $0x4E0;
	s2 =	sadd.s32 s30, s11  }
0x41: {  	[tilespmem:s16], [sflag:$0x3] =	stream.linear.gather [hbm4b:s2+s3], $0x80, $0x38;
	[tilespmem:$0x1C200] =	vst v63  }
0x42: {  	s2 =	sadd.s32 s30, s10  }
0x43: {  	[tilespmem:s17], [sflag:$0x2] =	stream.linear.gather [hbm4b:s2+s3], $0x80, $0x38;
	[tilespmem:$0x1C200] =	vst v63  }
0x44: {  	s2 =	sadd.s32 s30, s9;
	s30 =	smov.u32 s5  }
0x45: {  	[tilespmem:s18], [sflag:$0x4] =	stream.linear.gather [hbm4b:s2+s3], $0x80, $0x38;
	[tilespmem:$0x1C200] =	vst v63  }
0x46: {  	_ =	swait.ge [sflag:s19], $0x80  }
0x47: {  	[sflag:s19] =	ssyncset.done $0x0  }
0x48: {  	[sflag:s19] =	ssyncadd.s32 $0xFFFFFF80  }
0x49: {  	[tilespmem:s21], [sflag:$0x5] =	stream.indirect.gather [hbm4b:s4+s20], $0x80, s15, s20, $0xb8;
	[tilespmem:$0x1C200] =	vst v63  }
0x4a: {  	_ =	swait.ge [sflag:s22], $0x4000  }
0x4b: {  	[sflag:s22] =	ssyncset.done $0x0  }
0x4c: {  	[sflag:s22] =	ssyncadd.s32 $0xFFFFC000  }
0x4d: {  	_ =	swait.ge [sflag:s23], $0x80  }
0x4e: {  	[sflag:s23] =	ssyncset.done $0x0  }
0x4f: {  	[sflag:s23] =	ssyncadd.s32 $0xFFFFFF80  }
0x50: {  	[spmem:s1] =	stream.indirect.scatter.add.f32 [tilespmem:s21], [sflag:$0x7], $0x80, s16, s20, $0xb8;
	[tilespmem:$0x1C200] =	vst v63  }
0x51: {  	_ =	swait.ge [sflag:s14], $0x4000  }
0x52: {  	[sflag:s14] =	ssyncset.done $0x0  }
0x53: {  	[sflag:s14] =	ssyncadd.s32 $0xFFFFC000  }
0x54: {  	_ =	swait.ge [sflag:s24], $0x80  }
0x55: {  	[sflag:s24] =	ssyncset.done $0x0  }
0x56: {  	[sflag:s24] =	ssyncadd.s32 $0xFFFFFF80  }
0x57: {  	[tilespmem:s25], [sflag:$0x6] =	stream.indirect.gather [hbm4b:s4+s20], $0x80, s17, s20, $0xb8;
	[tilespmem:$0x1C200] =	vst v63  }
0x58: {  	_ =	swait.ge [sflag:s26], $0x4000  }
0x59: {  	[sflag:s26] =	ssyncset.done $0x0  }
0x5a: {  	[sflag:s26] =	ssyncadd.s32 $0xFFFFC000  }
0x5b: {  	_ =	swait.ge [sflag:s28], $0x80  }
.Ltmp0:
0x5c: {  	[sflag:s28] =	ssyncset.done $0x0;
	(pc) =	sbr.rel @p0 .LBB2_2-.Ltmp0, $4  }
0x5d: {  	[sflag:s28] =	ssyncadd.s32 $0xFFFFFF80  }
0x5e: {  	[spmem:s1] =	stream.indirect.scatter.add.f32 [tilespmem:s25], [sflag:$0x7], $0x80, s18, s20, $0xb8;
	[tilespmem:$0x1C200] =	vst v63  }
0x5f: {  	_ =	swait.ge [sflag:s14], $0x4000  }
0x60: {  	s31 =	smov.u32 s0;
	[sflag:s14] =	ssyncset.done $0x0  }
0x61: {  	s0 =	sadd.s32 s30, s12;
	[sflag:s14] =	ssyncadd.s32 $0xFFFFC000  }
0x62: {  	[tilespmem:s15], [sflag:$0x1] =	stream.linear.gather [hbm4b:s0+s3], $0x80, $0x38;
	[tilespmem:$0x1C200] =	vst v63  }
0x63: {  	s2 =	sadd.s32 s30, s11  }
0x64: {  	[tilespmem:s16], [sflag:$0x3] =	stream.linear.gather [hbm4b:s2+s3], $0x80, $0x38;
	[tilespmem:$0x1C200] =	vst v63  }
0x65: {  	s5 =	sadd.s32 s30, s10  }
0x66: {  	[tilespmem:s17], [sflag:$0x2] =	stream.linear.gather [hbm4b:s5+s3], $0x80, $0x38;
	[tilespmem:$0x1C200] =	vst v63  }
0x67: {  	s31 =	sadd.s32 s30, s9  }
0x68: {  	[tilespmem:s18], [sflag:$0x4] =	stream.linear.gather [hbm4b:s31+s3], $0x80, $0x38;
	[tilespmem:$0x1C200] =	vst v63  }
0x69: {  	_ =	swait.ge [sflag:s19], $0x80  }
0x6a: {  	[sflag:s19] =	ssyncset.done $0x0  }
0x6b: {  	[sflag:s19] =	ssyncadd.s32 $0xFFFFFF80  }
0x6c: {  	[tilespmem:s21], [sflag:$0x5] =	stream.indirect.gather [hbm4b:s4+s20], $0x80, s15, s20, $0xb8;
	[tilespmem:$0x1C200] =	vst v63  }
0x6d: {  	_ =	swait.ge [sflag:s22], $0x4000  }
0x6e: {  	[sflag:s22] =	ssyncset.done $0x0  }
0x6f: {  	[sflag:s22] =	ssyncadd.s32 $0xFFFFC000  }
0x70: {  	_ =	swait.ge [sflag:s23], $0x80  }
0x71: {  	[sflag:s23] =	ssyncset.done $0x0  }
0x72: {  	[sflag:s23] =	ssyncadd.s32 $0xFFFFFF80  }
0x73: {  	[spmem:s1] =	stream.indirect.scatter.add.f32 [tilespmem:s21], [sflag:$0x7], $0x80, s16, s20, $0xb8;
	[tilespmem:$0x1C200] =	vst v63  }
0x74: {  	_ =	swait.ge [sflag:s14], $0x4000  }
0x75: {  	[sflag:s14] =	ssyncset.done $0x0  }
0x76: {  	[sflag:s14] =	ssyncadd.s32 $0xFFFFC000  }
0x77: {  	_ =	swait.ge [sflag:s24], $0x80  }
0x78: {  	[sflag:s24] =	ssyncset.done $0x0  }
0x79: {  	[sflag:s24] =	ssyncadd.s32 $0xFFFFFF80  }
0x7a: {  	[tilespmem:s25], [sflag:$0x6] =	stream.indirect.gather [hbm4b:s4+s20], $0x80, s17, s20, $0xb8;
	[tilespmem:$0x1C200] =	vst v63  }
0x7b: {  	_ =	swait.ge [sflag:s26], $0x4000  }
0x7c: {  	[sflag:s26] =	ssyncset.done $0x0  }
0x7d: {  	[sflag:s26] =	ssyncadd.s32 $0xFFFFC000  }
0x7e: {  	_ =	swait.ge [sflag:s28], $0x80  }
0x7f: {  	[sflag:s28] =	ssyncset.done $0x0  }
0x80: {  	[sflag:s28] =	ssyncadd.s32 $0xFFFFFF80  }
0x81: {  	[spmem:s1] =	stream.indirect.scatter.add.f32 [tilespmem:s25], [sflag:$0x7], $0x80, s18, s20, $0xb8;
	[tilespmem:$0x1C200] =	vst v63  }
0x82: {  	_ =	swait.ge [sflag:s14], $0x4000  }
0x83: {  	s29 =	sadd.s32 $0x1, s29;
	[sflag:s14] =	ssyncset.done $0x0  }
0x84: {  	p0 =	sne.s32 s29, s8;
	[sflag:s14] =	ssyncadd.s32 $0xFFFFC000  }
.Ltmp1:
0x85: {  	[bflag:$0x0] =	sbarrier.arrive $0xFFFF;
	(pc) =	sbr.rel @p0 .LBB2_1-.Ltmp1, $4  }
0x86: {  	[hbm:s7], [sflag:s6] =	dma.local [spmem:s13], $0x2800  }
0x87: {  	_ =	swait.ge [sflag:s14], $0x2800  }
0x88: {  	[sflag:s14] =	ssyncset.done $0x0  }
0x89: {  	[sflag:s14] =	ssyncadd.s32 $0xFFFFD800  }
0x8a: {  	_ =	sfence.sel $0x180000  }
0x8b: {  	[bflag:$0x0] =	sbarrier.arrive $0xFFFF  }
0x8c: {  	_ =	strace $0x9000004D  }
0x8d: {  	s0 =	stileid.u32;
	[bflag:$0x2] =	sbarrier.arrive $0xFFFF  }
0x8e: {  	p0 =	sne.s32 s0, $0x0;
	s0 =	rddreg [dreg:$0x3]  }
0x8f: {  	s0 =	sadd.s32 @!p0 $0x100000, s0  }
0x90: {  	[sflag:s0] =	ssyncadd.tile.s32 @!p0 $0x1;
	_ =	shalt  }
.Lfunc_end2:
_tile_overlayer_lowered:
.L_overlay_start_2:
0x91: {  	(tag) =	ssettag $0x2  }
0x92: {  	s0 =	rddreg [dreg:$0x0];
	s2 =	stileid.u32  }
0x93: {  	s1 =	rddreg [dreg:$0x1];
	p0 =	sne.s32 s2, $0x0  }
0x94: {  	s3 =	rddreg [dreg:$0x2];
	[bflag:$0x3] =	sbarrier.arrive $0xFFFF;
	s2 =	simm.s32 @!p0 $0x1C07  }
0x95: {  	[timem:s3], [sflag:s2] =	dma.local @!p0 [hbm:s0], s1  }
0x96: {  	s0 =	simm.s32 @!p0 $0x7  }
0x97: {  	_ =	swait.ge @!p0 [sflag:s0], s1  }
0x98: {  	s1 =	ssub.s32 @!p0 $0x0, s1;
	[sflag:s0] =	ssyncset.done @!p0 $0x0  }
0x99: {  	[sflag:s0] =	ssyncadd.s32 @!p0 s1  }
0x9a: {  	[bflag:$0x3] =	sbarrier.arrive $0xFFFF  }
0x9b: {  	_ =	shalt  }

// kernel: kernel.8.cloned.1.call-start
scs
__scs_entry_jumppad:
0x0: {  	(pc) =	sbr.rel $0x88, $3  }
0x1: {  	(tag) =	ssettag $0x0;
	lr =	simm.s32 $0x1  }
0x2: {  	[smem:$0x3F99] =	sst lr;
	_ =	strace $0xD0000000  }
0x3: {  	_ = 	snop  }
0x4: {  	_ = 	snop  }
0x5: {  	_ = 	snop  }
0x6: {  	_ = 	snop  }
0x7: {  	_ = 	snop  }
__scs_overlays_trampoline_lowered:
0x8: {  	[smem:$0x3FA8] =	sst s0  }
0x9: {  	[smem:$0x3FA9] =	sst s1  }
0xa: {  	[smem:$0x3FAA] =	sst s2  }
0xb: {  	[smem:$0x3FAB] =	sst s3  }
0xc: {  	[smem:$0x3FAC] =	sst s4  }
0xd: {  	[smem:$0x3FAD] =	sst s5  }
0xe: {  	[smem:$0x3FAE] =	sst s6  }
0xf: {  	[smem:$0x3FAF] =	sst s7  }
0x10: {  	[smem:$0x3FB0] =	sst s8  }
0x11: {  	[smem:$0x3FB1] =	sst s9;
	s0 =	simm.s32 @!p0 $0x0  }
0x12: {  	s1 =	sld [smem:$0x3F97];
	s0 =	simm.s32 @p0 $0x1  }
0x13: {  	[smem:$0x3FB2] =	sst s0;
	s0 =	simm.s32 @!p1 $0x0  }
0x14: {  	s2 =	sld [smem:$0x3F96];
	s0 =	simm.s32 @p1 $0x1  }
0x15: {  	[smem:$0x3FB3] =	sst s0;
	s0 =	simm.s32 @!p2 $0x0  }
0x16: {  	s3 =	sld [smem:$0x3FDB];
	s0 =	simm.s32 @p2 $0x1  }
0x17: {  	s4 =	simm.s32 $0x1BF5;
	[smem:$0x3FB5] =	sst s0  }
0x18: {  	s0 =	sld [smem:$0x3F98];
	_ =	swait.ge [sflag:s4], $0x0  }
0x19: {  	s7 =	sld [smem:$0x3F99]  }
0x1a: {  	s8 =	sadd.s32 $0xFFFFE003, lr  }
0x1b: {  	s9 =	sadd.s32 $0xFFFFFEF7, lr;
	s5 =	simm.s32 $0xFFFFFFFF;
	p2 =	slt.u32 s8, $0xFFFFF086  }
0x1c: {  	p1 =	slt.u32 s9, $0xF7A;
	s5 =	simm.s32 @!p2 $0x0  }
0x1d: {  	s5 =	simm.s32 @p1 $0x1;
	p0 =	seq.s32 s7, s2  }
0x1e: {  	s7 =	smul.u32 @!p0 $0xF7A, s2;
	p2 =	seq.s32 @!p0 s5, $0x0  }
0x1f: {  	s9 =	smul.u32 $0xF7A, s1;
	s8 =	simm.s32 @!p0 $0x1BF5;
	p2 =	por !p2, p0  }
0x20: {  	[sflag:s8] =	ssyncset.s32 @!p0 $0xFFFFF086;
	s6 =	sadd.s32 @!p0 s3, s7;
	s7 =	simm.s32 @!p0 $0x108  }
0x21: {  	s3 =	sadd.s32 s3, s9;
	s6 =	sadd.s32 @!p0 $0x88, s6;
	s7 =	simm.s32 @p2 $0x1082  }
0x22: {  	[simem:s7], [sflag:s8] =	dma.local @!p0 [hbm:s6], $0xF7A  }
0x23: {  	s9 =	sor.u32 $0xD0000000, s2;
	s6 =	simm.s32 $0x108;
	_ =	swait.ge @!p0 [sflag:s8], $0x0  }
0x24: {  	s3 =	sadd.s32 $0x88, s3;
	s6 =	simm.s32 @!p1 $0x1082;
	[sflag:s4] =	ssyncset.s32 $0xFFFFF086  }
0x25: {  	[simem:s6], [sflag:s4] =	dma.local [hbm:s3], $0xF7A  }
0x26: {  	[smem:$0x3F99] =	sst s1;
	(tag) =	ssettag s2;
	_ =	strace s9  }
0x27: {  	s1 =	sld [smem:$0x3FA9]  }
0x28: {  	s2 =	sld [smem:$0x3FAA]  }
0x29: {  	s4 =	sld [smem:$0x3FAC]  }
0x2a: {  	p0 =	seq.s32 s5, $0x0;
	s5 =	sld [smem:$0x3FAD]  }
0x2b: {  	s6 =	sld [smem:$0x3FAE]  }
0x2c: {  	s7 =	sld [smem:$0x3FAF]  }
0x2d: {  	s3 =	simm.s32 $0x108;
	s8 =	sld [smem:$0x3FB0]  }
0x2e: {  	s3 =	simm.s32 @!p0 $0x1082;
	s9 =	sld [smem:$0x3FB1]  }
0x2f: {  	lr =	sadd.s32 s0, s3;
	s0 =	sld [smem:$0x3FA8]  }
0x30: {  	s3 =	sld [smem:$0x3FAB]  }
0x31: {  	[smem:$0x3FB4] =	sst s10  }
0x32: {  	s10 =	sld [smem:$0x3FB2];
	_ =	sdelay $0x3  }
0x33: {  	p0 =	seq.s32 s10, $0x1;
	s10 =	sld [smem:$0x3FB4];
	_ =	sdelay $0x3  }
0x34: {  	[smem:$0x3FB4] =	sst s10  }
0x35: {  	s10 =	sld [smem:$0x3FB3];
	_ =	sdelay $0x3  }
0x36: {  	p1 =	seq.s32 s10, $0x1;
	s10 =	sld [smem:$0x3FB4];
	_ =	sdelay $0x3  }
0x37: {  	[smem:$0x3FB4] =	sst s10  }
0x38: {  	s10 =	sld [smem:$0x3FB5]  }
0x39: {  	_ = 	snop;
	(pc) =	sbr.ind lr, $3  }
0x3a: {  	_ = 	snop  }
0x3b: {  	_ = 	snop  }
0x3c: {  	p2 =	seq.s32 s10, $0x1;
	s10 =	sld [smem:$0x3FB4]  }
0x3d: {  	_ =	shalt  }
0x3e: {  	_ =	shalt  }
0x3f: {  	_ =	shalt  }
0x40: {  	_ =	shalt  }
0x41: {  	_ =	shalt  }
0x42: {  	_ =	shalt  }
0x43: {  	_ =	shalt  }
0x44: {  	_ =	shalt  }
0x45: {  	_ =	shalt  }
0x46: {  	_ =	shalt  }
0x47: {  	_ =	shalt  }
0x48: {  	_ =	shalt  }
0x49: {  	_ =	shalt  }
0x4a: {  	_ =	shalt  }
0x4b: {  	_ =	shalt  }
0x4c: {  	_ =	shalt  }
0x4d: {  	_ =	shalt  }
0x4e: {  	_ =	shalt  }
0x4f: {  	_ =	shalt  }
0x50: {  	_ =	shalt  }
0x51: {  	_ =	shalt  }
0x52: {  	_ =	shalt  }
0x53: {  	_ =	shalt  }
0x54: {  	_ =	shalt  }
0x55: {  	_ =	shalt  }
0x56: {  	_ =	shalt  }
0x57: {  	_ =	shalt  }
0x58: {  	_ =	shalt  }
0x59: {  	_ =	shalt  }
0x5a: {  	_ =	shalt  }
0x5b: {  	_ =	shalt  }
0x5c: {  	_ =	shalt  }
0x5d: {  	_ =	shalt  }
0x5e: {  	_ =	shalt  }
0x5f: {  	_ =	shalt  }
0x60: {  	_ =	shalt  }
0x61: {  	_ =	shalt  }
0x62: {  	_ =	shalt  }
0x63: {  	_ =	shalt  }
0x64: {  	_ =	shalt  }
0x65: {  	_ =	shalt  }
0x66: {  	_ =	shalt  }
0x67: {  	_ =	shalt  }
0x68: {  	_ =	shalt  }
0x69: {  	_ =	shalt  }
0x6a: {  	_ =	shalt  }
0x6b: {  	_ =	shalt  }
0x6c: {  	_ =	shalt  }
0x6d: {  	_ =	shalt  }
0x6e: {  	_ =	shalt  }
0x6f: {  	_ =	shalt  }
0x70: {  	_ =	shalt  }
0x71: {  	_ =	shalt  }
0x72: {  	_ =	shalt  }
0x73: {  	_ =	shalt  }
0x74: {  	_ =	shalt  }
0x75: {  	_ =	shalt  }
0x76: {  	_ =	shalt  }
0x77: {  	_ =	shalt  }
0x78: {  	_ =	shalt  }
0x79: {  	_ =	shalt  }
0x7a: {  	_ =	shalt  }
0x7b: {  	_ =	shalt  }
0x7c: {  	_ =	shalt  }
0x7d: {  	_ =	shalt  }
0x7e: {  	_ =	shalt  }
0x7f: {  	_ =	shalt  }
0x80: {  	_ =	shalt  }
0x81: {  	_ =	shalt  }
0x82: {  	_ =	shalt  }
0x83: {  	_ =	shalt  }
0x84: {  	_ =	shalt  }
0x85: {  	_ =	shalt  }
0x86: {  	_ =	shalt  }
0x87: {  	_ =	shalt  }
.Lfunc_end0:
.L_simem_size_0:
called_computation_lowered:
.L_overlay_start_0:
0x88: {  	s2 =	sld [smem:$0x3FD9]  }
0x89: {  	s3 =	sld [smem:$0x3FFE];
	_ =	sdelay $0x1  }
0x8a: {  	s1 =	srdreg.scid  }
0x8b: {  	s0 =	sand.u32 $0x1, s1  }
0x8c: {  	s17 =	sshll.u32 s0, $0xA;
	s2 =	sadd.s32 s3, s2  }
0x8d: {  	s2 =	sadd.s32 s2, s17  }
0x8e: {  	[smem:$0x3FC0] =	sst s2  }
0x8f: {  	_ = 	snop  }
0x90: {  	s2 =	sld [smem:$0x3FD0];
	(tm) =	ssettm $0x1  }
0x91: {  	s18 =	sld [smem:$0x3FFB];
	_ =	sdelay $0x3  }
0x92: {  	_ =	strace s18  }
0x93: {  	s3 =	sld [smem:$0x3FFC];
	_ =	sdelay $0x3  }
0x94: {  	_ =	strace s3  }
0x95: {  	s3 =	sld [smem:$0x3FFD];
	_ =	sdelay $0x3  }
0x96: {  	_ =	strace s3  }
0x97: {  	_ =	strace $0x8FFFFFFF  }
0x98: {  	s19 =	sld [smem:$0x3FDB];
	_ =	sdelay $0x1  }
0x99: {  	s4 =	simm.s32 $_scs_section_size  }
0x9a: {  	s5 =	simm.s32 $_size__tile_overlayer_lowered;
	s6 =	simm.s32 $_tile_overlayer_lowered  }
0x9b: {  	s22 =	simm.s32 $0x1BFF;
	s21 =	sshll.u32 s6, $0x1;
	s3 =	sadd.s32 s4, s19  }
0x9c: {  	s7 =	simm.s32 $0x0;
	s20 =	sshll.u32 s5, $0x1;
	s5 =	sadd.s32 s21, s3  }
0x9d: {  	[timem:s7], [sflag:s22] =	dma.local [hbm:s5], s20  }
0x9e: {  	_ =	swait.ge [sflag:s22], s20  }
0x9f: {  	s4 =	ssub.s32 $0x0, s20;
	[sflag:s22] =	ssyncset.done $0x0  }
0xa0: {  	[sflag:s22] =	ssyncadd.s32 s4;
	_ =	sdelay $0x1  }
0xa1: {  	s23 =	simm.s32 $0x1B8B  }
0xa2: {  	_ =	swait.ge [sflag:s23], $0x1  }
0xa3: {  	[sflag:s23] =	ssyncset.done $0x0  }
0xa4: {  	s25 =	simm.s32 $0x1B8E;
	s24 =	sld [smem:$0x3FFE];
	[sflag:s23] =	ssyncadd.s32 $0xFFFFFFFF  }
0xa5: {  	s26 =	simm.s32 $execute0_lowered;
	[smem:$0x3FD2] =	sst s25  }
0xa6: {  	s5 =	sshll.u32 s26, $0x1;
	_ =	strace $0x80000046;
	[dreg:$0x1] =	wrdreg $0xFFFFFFFF  }
0xa7: {  	s28 =	simm.s32 $_size_execute0_lowered;
	s3 =	sadd.s32 s3, s5;
	[dreg:$0x0] =	wrdreg $0x0  }
0xa8: {  	s5 =	sshll.u32 s28, $0x1;
	[dreg:$0x2] =	wrdreg s3  }
0xa9: {  	[dreg:$0x3] =	wrdreg s5  }
0xaa: {  	[dreg:$0x4] =	wrdreg $0xC0  }
0xab: {  	_ =	task [dreg:s7], $0x5FFFF  }
0xac: {  	[dreg:$0x1] =	wrdreg $0xFFFFFFFF  }
0xad: {  	[dreg:$0x0] =	wrdreg $0x60  }
0xae: {  	[dreg:$0x2] =	wrdreg s2  }
0xaf: {  	[dreg:$0x3] =	wrdreg s24  }
0xb0: {  	[dreg:$0x4] =	wrdreg $0x0  }
0xb1: {  	[dreg:$0x5] =	wrdreg $0x9  }
0xb2: {  	_ =	task.clear_ibuf [dreg:s7], $0x6FFFF;
	_ =	strace $0x90000046  }
0xb3: {  	s29 =	simm.s32 $0x9;
	_ =	strace $0x80000048  }
0xb4: {  	_ =	swait.ge [sflag:s29], $0x1  }
0xb5: {  	[sflag:s29] =	ssyncadd.s32 $0xFFFFFFFF  }
0xb6: {  	_ =	strace $0x90000048  }
0xb7: {  	_ =	sfence  }
0xb8: {  	s30 =	sld [smem:$0x0];
	_ =	sdelay $0x2  }
0xb9: {  	s31 =	sshll.u32 s1, $0xD;
	s1 =	sshrl.u32 s1, $0x2  }
0xba: {  	s3 =	sand.u32 $0x4000, s31;
	s1 =	sadd.s32 s1, s30  }
0xbb: {  	s0 =	sor.u32 s3, s0;
	s1 =	sshll.u32 s1, $0x11  }
0xbc: {  	s0 =	sor.u32 s1, s0  }
0xbd: {  	s0 =	sadd.s32 $0x8F2B, s0  }
0xbe: {  	[sflag:s0] =	ssyncadd.remote.s32 $0x1  }
0xbf: {  	_ =	sfence.sel $0xFFFF  }
0xc0: {  	[dreg:$0x0] =	wrdreg $0xFFFFFFFF;
	(pc) =	sbr.abs _section_cstart, $3  }
0xc1: {  	[dreg:$0x1] =	wrdreg $0xFFFFFFFF  }
0xc2: {  	_ =	task.clear_ibuf [dreg:s7], $0x2FFFF;
	_ =	strace $0x9FFFFFFF  }
0xc3: {  	(tm) =	ssettm $0x7FFFFFFF  }
tec
execute0_lowered:
.L_overlay_start_1:
0x0: {  	(tag) =	ssettag $0x1  }
0x1: {  	s8 =	rddreg [dreg:$0x0]  }
0x2: {  	s6 =	rddreg [dreg:$0x1]  }
0x3: {  	s1 =	rddreg [dreg:$0x2];
	s2 =	srdreg.scid  }
0x4: {  	s0 =	rddreg [dreg:$0x3];
	s7 =	sand.u32 $0x1, s2  }
0x5: {  	s2 =	stileid.u32;
	s9 =	smul.u32 $0x140000, s7  }
0x6: {  	s3 =	simm.s32 $0x0;
	s14 =	simm.s32 $0x50;
	s10 =	smul.u32 $0x14000, s2  }
0x7: {  	s15 =	simm.s32 $0x0;
	[smem:$0x7FF] =	sst s3;
	s11 =	smul.u32 $0x50000, s2  }
0x8: {  	s4 =	sadd.s32 $0x3200, s6;
	s5 =	sadd.s32 $0x2C00, s6;
	s28 =	smul.u32 $0x28000, s7  }
0x9: {  	_ =	strace $0x80000047;
	s7 =	ssub.s32 $0x2, s7;
	s12 =	smul.u32 $0x2800, s2  }
0xa: {  	s31 =	sshll.u32 s2, $0x6;
	s29 =	sshrl.u32 s7, $0x1;
	s9 =	sadd.s32 s10, s9  }
0xb: {  	s11 =	sshrl.u32 s11, $0x2;
	s7 =	ssub.s32 s7, s29;
	s30 =	sadd.s32 s12, s28  }
0xc: {  	s10 =	simm.s32 $0x1;
	s9 =	sshrl.u32 s9, $0x3;
	s13 =	sadd.s32 s11, s1  }
0xd: {  	s7 =	smax.u32 s7, $0x1;
	s11 =	sor.u32 $0x1C01, s31;
	s6 =	sadd.s32 s9, s6  }
0xe: {  	s9 =	sshrl.u32 s30, $0x3;
	s12 =	sshrl.u32 s13, $0x3;
	s13 =	simm.s32 $0x2800  }
0xf: {  	s6 =	sadd.s32 $0x5A00, s6;
	s8 =	sadd.s32 s9, s8;
	s9 =	simm.s32 $0x2880  }
.LBB2_1:
0x10: {  	[tilespmem:s9], [sflag:$0x1] =	stream.linear.gather [hbm4b:s5+s3], $0x2800, $0x38;
	[tilespmem:$0x5080] =	vst v63  }
0x11: {  	_ =	swait.ge [sflag:s10], $0x2800  }
0x12: {  	[sflag:s10] =	ssyncset.done $0x0  }
0x13: {  	[sflag:s10] =	ssyncadd.s32 $0xFFFFD800  }
0x14: {  	[spmem:s12], [sflag:s11] =	dma.local [hbm:s4], $0x2800  }
0x15: {  	_ =	swait.ge [sflag:s10], $0x2800  }
0x16: {  	[sflag:s10] =	ssyncset.done $0x0  }
0x17: {  	[sflag:s10] =	ssyncadd.s32 $0xFFFFD800  }
0x18: {  	s16 =	sadd.s32 $0x0, s8;
	[bflag:$0x0] =	sbarrier.arrive $0xFFFF  }
0x19: {  	[tilespmem:s13], [sflag:$0x1] =	stream.linear.gather [hbm4b:s16+s3], $0x50, $0x38;
	[tilespmem:$0x5080] =	vst v63  }
0x1a: {  	_ =	swait.ge [sflag:s10], $0x50  }
0x1b: {  	[sflag:s10] =	ssyncset.done $0x0  }
0x1c: {  	[sflag:s10] =	ssyncadd.s32 $0xFFFFFFB0  }
0x1d: {  	[spmem:s1] =	stream.indirect.scatter.add.f32 [tilespmem:s9], [sflag:$0x1], $0x10, s13, s14, $0xb8;
	[tilespmem:$0x5080] =	vst v63  }
0x1e: {  	_ =	swait.ge [sflag:s10], $0x500  }
0x1f: {  	s17 =	simm.s32 $0x14;
	s16 =	simm.s32 $0xA;
	[sflag:s10] =	ssyncset.done $0x0  }
.LBB2_2:
0x20: {  	s18 =	sadd.s32 s16, s8  }
0x21: {  	[sflag:s10] =	ssyncadd.s32 $0xFFFFFB00;
	s16 =	smov.u32 s17;
	s19 =	sadd.s32 $0xA, s17  }
0x22: {  	[tilespmem:s13], [sflag:$0x1] =	stream.linear.gather [hbm4b:s18+s3], $0x50, $0x38;
	[tilespmem:$0x5080] =	vst v63  }
0x23: {  	p0 =	sne.s32 s17, $0x4F6;
	_ =	swait.ge [sflag:s10], $0x50  }
.Ltmp0:
0x24: {  	[sflag:s10] =	ssyncset.done $0x0;
	(pc) =	sbr.rel @p0 .LBB2_2-.Ltmp0, $4  }
0x25: {  	[sflag:s10] =	ssyncadd.s32 $0xFFFFFFB0  }
0x26: {  	[spmem:s1] =	stream.indirect.scatter.add.f32 [tilespmem:s9], [sflag:$0x1], $0x10, s13, s14, $0xb8;
	[tilespmem:$0x5080] =	vst v63  }
0x27: {  	_ =	swait.ge [sflag:s10], $0x500  }
0x28: {  	s17 =	smov.u32 s19;
	[sflag:s10] =	ssyncset.done $0x0  }
0x29: {  	s16 =	sadd.s32 s16, s8;
	[sflag:s10] =	ssyncadd.s32 $0xFFFFFB00  }
0x2a: {  	[tilespmem:s13], [sflag:$0x1] =	stream.linear.gather [hbm4b:s16+s3], $0x50, $0x38;
	[tilespmem:$0x5080] =	vst v63  }
0x2b: {  	_ =	swait.ge [sflag:s10], $0x50  }
0x2c: {  	[sflag:s10] =	ssyncset.done $0x0  }
0x2d: {  	[sflag:s10] =	ssyncadd.s32 $0xFFFFFFB0  }
0x2e: {  	[spmem:s1] =	stream.indirect.scatter.add.f32 [tilespmem:s9], [sflag:$0x1], $0x10, s13, s14, $0xb8;
	[tilespmem:$0x5080] =	vst v63  }
0x2f: {  	_ =	swait.ge [sflag:s10], $0x500  }
0x30: {  	s15 =	sadd.s32 $0x1, s15;
	[sflag:s10] =	ssyncset.done $0x0  }
0x31: {  	p0 =	sne.s32 s15, s7;
	[sflag:s10] =	ssyncadd.s32 $0xFFFFFB00  }
.Ltmp1:
0x32: {  	[bflag:$0x0] =	sbarrier.arrive $0xFFFF;
	(pc) =	sbr.rel @p0 .LBB2_1-.Ltmp1, $4  }
0x33: {  	[hbm:s6], [sflag:s11] =	dma.local [spmem:s12], $0x2800  }
0x34: {  	_ =	swait.ge [sflag:s10], $0x2800  }
0x35: {  	[sflag:s10] =	ssyncset.done $0x0  }
0x36: {  	[sflag:s10] =	ssyncadd.s32 $0xFFFFD800  }
0x37: {  	_ =	sfence.sel $0x180000  }
0x38: {  	[bflag:$0x0] =	sbarrier.arrive $0xFFFF  }
0x39: {  	p0 =	sne.s32 s2, $0x0;
	_ =	strace $0x90000047  }
0x3a: {  	s0 =	sadd.s32 @!p0 $0x100000, s0;
	[bflag:$0x2] =	sbarrier.arrive $0xFFFF  }
0x3b: {  	[sflag:s0] =	ssyncadd.tile.s32 @!p0 $0x1;
	_ =	shalt  }
.Lfunc_end2:
_tile_overlayer_lowered:
.L_overlay_start_2:
0x3c: {  	(tag) =	ssettag $0x2  }
0x3d: {  	s0 =	rddreg [dreg:$0x0];
	s2 =	stileid.u32  }
0x3e: {  	s1 =	rddreg [dreg:$0x1];
	p0 =	sne.s32 s2, $0x0  }
0x3f: {  	s3 =	rddreg [dreg:$0x2];
	[bflag:$0x3] =	sbarrier.arrive $0xFFFF;
	s2 =	simm.s32 @!p0 $0x1C01  }
0x40: {  	[timem:s3], [sflag:s2] =	dma.local @!p0 [hbm:s0], s1  }
0x41: {  	s0 =	simm.s32 @!p0 $0x1  }
0x42: {  	_ =	swait.ge @!p0 [sflag:s0], s1  }
0x43: {  	s1 =	ssub.s32 @!p0 $0x0, s1;
	[sflag:s0] =	ssyncset.done @!p0 $0x0  }
0x44: {  	[sflag:s0] =	ssyncadd.s32 @!p0 s1  }
0x45: {  	[bflag:$0x3] =	sbarrier.arrive $0xFFFF  }
0x46: {  	_ =	shalt  }

</sc_bundles>
